<compile_context>
chip_gen: v7x
topology: tpu7x:2x2x1
jax: 0.10.2.dev20260603
libtpu: 0.0.44.dev20260713+nightly
codegen_flags: <defaults>
</compile_context>

<pallas_src>
import functools

import jax
import jax.numpy as jnp
from jax import lax
from jax.experimental import pallas as pl
from jax.experimental.pallas import tpu as pltpu
from jax.experimental.pallas import tpu_sc as plsc

N = 320000
D = 128
NUM_SEG = 10000
SEG_PAD = 10240

NW = 32
BR = 128
NB = N // BR
NB_PAD = 2560
BPW = NB_PAD // NW
SEG_PER_TILE = SEG_PAD // 16

_sc_mesh = plsc.VectorSubcoreMesh(core_axis_name="c", subcore_axis_name="s")



def _segsum_body(x_hbm, b2d_hbm, zeros_hbm, out_hbm, idx_v, xb_v, xsum_sh):
    c = lax.axis_index("c")
    s = lax.axis_index("s")
    wid = c * 16 + s
    seg0 = pl.multiple_of(s * SEG_PER_TILE, 8)

    pltpu.sync_copy(zeros_hbm, xsum_sh.at[pl.ds(seg0, SEG_PER_TILE)])
    pltpu.sync_copy(b2d_hbm.at[pl.ds(pl.multiple_of(wid * BPW, 8), BPW)], idx_v)
    plsc.subcore_barrier()

    def block(j, carry):
        b = wid * BPW + j

        @pl.when(b < NB)
        def _():
            row0 = pl.multiple_of(b * BR, 8)
            pltpu.sync_copy(x_hbm.at[pl.ds(row0, BR)], xb_v)
            pltpu.sync_copy(xb_v, xsum_sh.at[idx_v.at[j]], add=True)

        return carry

    lax.fori_loop(0, BPW, block, 0)
    plsc.subcore_barrier()

    pltpu.sync_copy(
        xsum_sh.at[pl.ds(seg0, SEG_PER_TILE)],
        out_hbm.at[c, pl.ds(seg0, SEG_PER_TILE)],
    )


_segsum_call = functools.partial(
    pl.kernel,
    out_type=jax.ShapeDtypeStruct((2, SEG_PAD, D), jnp.float32),
    mesh=_sc_mesh,
    scratch_types=[
        pltpu.VMEM((BPW, BR), jnp.int32),
        pltpu.VMEM((BR, D), jnp.float32),
        pltpu.VMEM_SHARED((SEG_PAD, D), jnp.float32),
    ],
)(_segsum_body)



def _gather_add_body(phi_hbm, rho_hbm, b2d_hbm, out_hbm, idx_v, xb_v, gb_v, sem):
    c = lax.axis_index("c")
    s = lax.axis_index("s")
    wid = c * 16 + s

    pltpu.sync_copy(b2d_hbm.at[pl.ds(pl.multiple_of(wid * BPW, 8), BPW)], idx_v)

    def block(j, carry):
        b = wid * BPW + j

        @pl.when(b < NB)
        def _():
            row0 = pl.multiple_of(b * BR, 8)
            pltpu.async_copy(rho_hbm.at[idx_v.at[j]], gb_v, sem).wait()
            pltpu.sync_copy(phi_hbm.at[pl.ds(row0, BR)], xb_v)

            def addrow(r, carry2):
                for cc in range(D // 16):
                    sl = pl.ds(cc * 16, 16)
                    xb_v[r, sl] = xb_v[r, sl] + gb_v[r, sl]
                return carry2

            lax.fori_loop(0, BR, addrow, 0)
            pltpu.sync_copy(xb_v, out_hbm.at[pl.ds(row0, BR)])

        return carry

    lax.fori_loop(0, BPW, block, 0)


_gather_add_call = functools.partial(
    pl.kernel,
    out_type=jax.ShapeDtypeStruct((N, D), jnp.float32),
    mesh=_sc_mesh,
    scratch_types=[
        pltpu.VMEM((BPW, BR), jnp.int32),
        pltpu.VMEM((BR, D), jnp.float32),
        pltpu.VMEM((BR, D), jnp.float32),
        pltpu.SemaphoreType.DMA,
    ],
)(_gather_add_body)



PHI_ROWS = 2000


def _phi_body(x_ref, w1_ref, b1_ref, w2_ref, b2_ref, o_ref):
    h = jnp.maximum(
        jnp.dot(x_ref[...], w1_ref[...], preferred_element_type=jnp.float32)
        + b1_ref[...],
        0.0,
    )
    o_ref[...] = (
        jnp.dot(h, w2_ref[...], preferred_element_type=jnp.float32) + b2_ref[...]
    )


def _phi_call(x, w1, b1, w2, b2):
    grid = (N // PHI_ROWS,)
    return pl.pallas_call(
        _phi_body,
        grid=grid,
        in_specs=[
            pl.BlockSpec((PHI_ROWS, D), lambda i: (i, 0)),
            pl.BlockSpec((D, D), lambda i: (0, 0)),
            pl.BlockSpec((1, D), lambda i: (0, 0)),
            pl.BlockSpec((D, D), lambda i: (0, 0)),
            pl.BlockSpec((1, D), lambda i: (0, 0)),
        ],
        out_specs=pl.BlockSpec((PHI_ROWS, D), lambda i: (i, 0)),
        out_shape=jax.ShapeDtypeStruct((N, D), jnp.float32),
    )(x, w1, b1, w2, b2)



RHO_ROWS = 2000


def _rho_body(p_ref, w1_ref, b1_ref, w2_ref, b2_ref, o_ref):
    xs = p_ref[0] + p_ref[1]
    h = jnp.maximum(
        jnp.dot(xs, w1_ref[...], preferred_element_type=jnp.float32) + b1_ref[...],
        0.0,
    )
    o_ref[...] = (
        jnp.dot(h, w2_ref[...], preferred_element_type=jnp.float32) + b2_ref[...]
    )


def _rho_call(partials, w1, b1, w2, b2):
    grid = (NUM_SEG // RHO_ROWS,)
    return pl.pallas_call(
        _rho_body,
        grid=grid,
        in_specs=[
            pl.BlockSpec((2, RHO_ROWS, D), lambda i: (0, i, 0)),
            pl.BlockSpec((D, D), lambda i: (0, 0)),
            pl.BlockSpec((1, D), lambda i: (0, 0)),
            pl.BlockSpec((D, D), lambda i: (0, 0)),
            pl.BlockSpec((1, D), lambda i: (0, 0)),
        ],
        out_specs=pl.BlockSpec((RHO_ROWS, D), lambda i: (i, 0)),
        out_shape=jax.ShapeDtypeStruct((NUM_SEG, D), jnp.float32),
    )(partials, w1, b1, w2, b2)



def kernel(x, batch, phi_w1, phi_b1, phi_w2, phi_b2, rho_w1, rho_b1, rho_w2, rho_b2):
    bi = batch.astype(jnp.int32)
    b2d = jnp.concatenate(
        [bi, jnp.zeros((NB_PAD * BR - N,), jnp.int32)]
    ).reshape(NB_PAD, BR)
    zeros_tile = jnp.zeros((SEG_PER_TILE, D), jnp.float32)

    x_phi = _phi_call(x, phi_w1, phi_b1.reshape(1, D), phi_w2, phi_b2.reshape(1, D))
    partials = _segsum_call(x, b2d, zeros_tile)
    rho_out = _rho_call(
        partials, rho_w1, rho_b1.reshape(1, D), rho_w2, rho_b2.reshape(1, D)
    )
    return _gather_add_call(x_phi, rho_out, b2d)

# --- scband reference (transcript-rebuilt; emitter-appended) ---
"""Pipeline reference for scband-neuron-equiv-deep-set-layer-11922829214367 (READ-ONLY COPY).

The authoritative reference and input builder live on the scoring server;
editing this copy changes nothing except your own understanding.
"""

import jax, jax.numpy as jnp
import numpy as np

N = 320000
D_IN = 128
D_OUT = 128
NUM_SEG = 10000


def _linear_params(key, fan_in, fan_out):
    k1, k2 = jax.random.split(key)
    bound = 1.0 / np.sqrt(fan_in)
    w = jax.random.uniform(k1, (fan_in, fan_out), minval=-bound, maxval=bound, dtype=jnp.float32)
    b = jax.random.uniform(k2, (fan_out,), minval=-bound, maxval=bound, dtype=jnp.float32)
    return w, b


def setup_inputs(seed: int = 0):
    key = jax.random.key(seed)
    kx, kb, k1, k2, k3, k4 = jax.random.split(key, 6)
    x = jax.random.normal(kx, (N, D_IN), dtype=jnp.float32)
    batch = jnp.sort(jax.random.randint(kb, (N,), 0, NUM_SEG, dtype=jnp.int64))
    phi_w1, phi_b1 = _linear_params(k1, D_IN, D_OUT)
    phi_w2, phi_b2 = _linear_params(k2, D_OUT, D_OUT)
    rho_w1, rho_b1 = _linear_params(k3, D_IN, D_OUT)
    rho_w2, rho_b2 = _linear_params(k4, D_OUT, D_OUT)
    return {
        "x": x,
        "batch": batch,
        "phi_w1": phi_w1, "phi_b1": phi_b1,
        "phi_w2": phi_w2, "phi_b2": phi_b2,
        "rho_w1": rho_w1, "rho_b1": rho_b1,
        "rho_w2": rho_w2, "rho_b2": rho_b2,
    }


def reference(x, batch, phi_w1, phi_b1, phi_w2, phi_b2, rho_w1, rho_b1, rho_w2, rho_b2):
    # phi branch: 2-layer MLP on per-element features
    h_phi = jnp.maximum(x @ phi_w1 + phi_b1, 0.0)
    x_phi = h_phi @ phi_w2 + phi_b2
    # segment-sum then broadcast back (scatter-add + gather)
    x_sum = jax.ops.segment_sum(x, batch, num_segments=NUM_SEG)
    x_sum_brod = jnp.take(x_sum, batch, axis=0)
    # rho branch: 2-layer MLP on broadcast segment sums
    h_rho = jnp.maximum(x_sum_brod @ rho_w1 + rho_b1, 0.0)
    x_rho = h_rho @ rho_w2 + rho_b2
    return x_phi + x_rho

if __name__ == "__main__":
    import jax
    _d = setup_inputs()
    print(jax.jit(kernel)(*tuple(_d.values())))

</pallas_src>

<mosaic_0001>
#map = affine_map<(d0, d1) -> (0, 0)>
module attributes {stable_mosaic.version = 14 : i64} {
  func.func @_gather_add_body(%arg0: i32, %arg1: i32, %arg2: memref<320000x128xf32, #tpu.memory_space<hbm>>, %arg3: memref<10000x128xf32, #tpu.memory_space<hbm>>, %arg4: memref<2560x128xi32, #tpu.memory_space<hbm>>, %arg5: memref<320000x128xf32, #tpu.memory_space<hbm>>, %arg6: memref<80x128xi32, #tpu.memory_space<vmem>>, %arg7: memref<128x128xf32, #tpu.memory_space<vmem>>, %arg8: memref<128x128xf32, #tpu.memory_space<vmem>>, %arg9: memref<!tpu.dma_semaphore, #tpu.memory_space<semaphore_mem>>) attributes {dimension_semantics = [#tpu.dimension_semantics<core_parallel>, #tpu.dimension_semantics<subcore_parallel>], iteration_bounds = array<i64: 2, 16>, scalar_prefetch = 0 : i64, scratch_operands = 4 : i64, tpu.core_type = #tpu.core_type<sc_vector_subcore>, window_params = [{transform_indices = #map}, {transform_indices = #map}, {transform_indices = #map}, {transform_indices = #map}]} {
    %mul3A = arith.constant 16 : i32
    %mul3A_0 = arith.muli %arg0, %mul3A : i32
    %add3A = arith.addi %mul3A_0, %arg1 : i32
    %mul3A_1 = arith.constant 80 : i32
    %mul3A_2 = arith.muli %add3A, %mul3A_1 : i32
    %multiple_of3A = tpu.assume_multiple %mul3A_2, 8 : i32
    "tpu.region"() ({
      %run_scoped3A = tpu.sem_alloc : memref<!tpu.dma_semaphore, #tpu.memory_space<semaphore_mem>>
      %dma_start3A = arith.constant 0 : i32
      %dma_start3A_8 = tpu.memref_slice %arg4[%multiple_of3A, %dma_start3A] : memref<2560x128xi32, #tpu.memory_space<hbm>> -> memref<80x128xi32, #tpu.memory_space<hbm>>
      %dma_start3A_9 = arith.constant 0 : i32
      %dma_start3A_10 = tpu.memref_slice %arg4[%multiple_of3A, %dma_start3A_9] : memref<2560x128xi32, #tpu.memory_space<hbm>> -> memref<80x128xi32, #tpu.memory_space<hbm>>
      tpu.enqueue_dma source(%dma_start3A_10 : memref<80x128xi32, #tpu.memory_space<hbm>>) target(%arg6 : memref<80x128xi32, #tpu.memory_space<vmem>>) target_semaphore(%run_scoped3A : memref<!tpu.dma_semaphore, #tpu.memory_space<semaphore_mem>>)
      %dma_wait3A = arith.constant 0 : i32
      %dma_wait3A_11 = tpu.memref_slice %arg4[%multiple_of3A, %dma_wait3A] : memref<2560x128xi32, #tpu.memory_space<hbm>> -> memref<80x128xi32, #tpu.memory_space<hbm>>
      %dma_wait3A_12 = arith.constant 0 : i32
      %dma_wait3A_13 = tpu.memref_slice %arg4[%multiple_of3A, %dma_wait3A_12] : memref<2560x128xi32, #tpu.memory_space<hbm>> -> memref<80x128xi32, #tpu.memory_space<hbm>>
      tpu.wait_dma2 semaphore(%run_scoped3A : memref<!tpu.dma_semaphore, #tpu.memory_space<semaphore_mem>>) src(%dma_wait3A_13 : memref<80x128xi32, #tpu.memory_space<hbm>>) dst(%arg6 : memref<80x128xi32, #tpu.memory_space<vmem>>)
      tpu.yield
    }) : () -> ()
    %scan3A = arith.constant 0 : i32
    %scan3A_3 = arith.constant 0 : i32
    %scan3A_4 = arith.constant 80 : i32
    %scan3A_5 = arith.addi %scan3A_3, %scan3A_4 : i32
    %scan3A_6 = arith.constant 1 : i32
    scf.for %scan3A_8 = %scan3A_3 to %scan3A_5 step %scan3A_6  : i32 {
      %mul3A_9 = arith.constant 80 : i32
      %mul3A_10 = arith.muli %add3A, %mul3A_9 : i32
      %add3A_11 = arith.addi %mul3A_10, %scan3A_8 : i32
      %lt3A = arith.constant 2500 : i32
      %lt3A_12 = arith.cmpi slt, %add3A_11, %lt3A : i32
      %convert_element_type3A = arith.extui %lt3A_12 : i1 to i32
      %cond3A = arith.constant 0 : i32
      %cond3A_13 = arith.cmpi ne, %convert_element_type3A, %cond3A : i32
      scf.if %cond3A_13 {
        %mul3A_14 = arith.constant 128 : i32
        %mul3A_15 = arith.muli %add3A_11, %mul3A_14 : i32
        %multiple_of3A_16 = tpu.assume_multiple %mul3A_15, 8 : i32
        %dma_start3A = arith.constant 0 : i32
        %dma_start3A_17 = tpu.memref_slice %arg6[%scan3A_8, %dma_start3A] : memref<80x128xi32, #tpu.memory_space<vmem>> -> memref<1x128xi32, #tpu.memory_space<vmem>>
        %dma_start3A_18 = tpu.memref_squeeze %dma_start3A_17 : memref<1x128xi32, #tpu.memory_space<vmem>> -> memref<128xi32, #tpu.memory_space<vmem>>
        %dma_start3A_19 = arith.constant 0 : i32
        %dma_start3A_20 = arith.constant 0 : i32
        %dma_start3A_21 = tpu.memref_slice %arg3[%dma_start3A_19, %dma_start3A_20] : memref<10000x128xf32, #tpu.memory_space<hbm>> -> memref<10000x128xf32, #tpu.memory_space<hbm>>
        tpu.enqueue_indirect_dma source(%dma_start3A_21 : memref<10000x128xf32, #tpu.memory_space<hbm>>) target(%arg8 : memref<128x128xf32, #tpu.memory_space<vmem>>) offsets(%dma_start3A_18 : memref<128xi32, #tpu.memory_space<vmem>>) semaphore(%arg9 : memref<!tpu.dma_semaphore, #tpu.memory_space<semaphore_mem>>)
        %dma_wait3A = arith.constant 0 : i32
        %dma_wait3A_22 = tpu.memref_slice %arg6[%scan3A_8, %dma_wait3A] : memref<80x128xi32, #tpu.memory_space<vmem>> -> memref<1x128xi32, #tpu.memory_space<vmem>>
        %dma_wait3A_23 = tpu.memref_squeeze %dma_wait3A_22 : memref<1x128xi32, #tpu.memory_space<vmem>> -> memref<128xi32, #tpu.memory_space<vmem>>
        %dma_wait3A_24 = arith.constant 0 : i32
        %dma_wait3A_25 = arith.constant 0 : i32
        %dma_wait3A_26 = tpu.memref_slice %arg3[%dma_wait3A_24, %dma_wait3A_25] : memref<10000x128xf32, #tpu.memory_space<hbm>> -> memref<10000x128xf32, #tpu.memory_space<hbm>>
        tpu.wait_indirect_dma semaphore(%arg9 : memref<!tpu.dma_semaphore, #tpu.memory_space<semaphore_mem>>) src(%dma_wait3A_26 : memref<10000x128xf32, #tpu.memory_space<hbm>>) dst(%arg8 : memref<128x128xf32, #tpu.memory_space<vmem>>)
        "tpu.region"() ({
          %run_scoped3A = tpu.sem_alloc : memref<!tpu.dma_semaphore, #tpu.memory_space<semaphore_mem>>
          %dma_start3A_33 = arith.constant 0 : i32
          %dma_start3A_34 = tpu.memref_slice %arg2[%multiple_of3A_16, %dma_start3A_33] : memref<320000x128xf32, #tpu.memory_space<hbm>> -> memref<128x128xf32, #tpu.memory_space<hbm>>
          %dma_start3A_35 = arith.constant 0 : i32
          %dma_start3A_36 = tpu.memref_slice %arg2[%multiple_of3A_16, %dma_start3A_35] : memref<320000x128xf32, #tpu.memory_space<hbm>> -> memref<128x128xf32, #tpu.memory_space<hbm>>
          tpu.enqueue_dma source(%dma_start3A_36 : memref<128x128xf32, #tpu.memory_space<hbm>>) target(%arg7 : memref<128x128xf32, #tpu.memory_space<vmem>>) target_semaphore(%run_scoped3A : memref<!tpu.dma_semaphore, #tpu.memory_space<semaphore_mem>>)
          %dma_wait3A_37 = arith.constant 0 : i32
          %dma_wait3A_38 = tpu.memref_slice %arg2[%multiple_of3A_16, %dma_wait3A_37] : memref<320000x128xf32, #tpu.memory_space<hbm>> -> memref<128x128xf32, #tpu.memory_space<hbm>>
          %dma_wait3A_39 = arith.constant 0 : i32
          %dma_wait3A_40 = tpu.memref_slice %arg2[%multiple_of3A_16, %dma_wait3A_39] : memref<320000x128xf32, #tpu.memory_space<hbm>> -> memref<128x128xf32, #tpu.memory_space<hbm>>
          tpu.wait_dma2 semaphore(%run_scoped3A : memref<!tpu.dma_semaphore, #tpu.memory_space<semaphore_mem>>) src(%dma_wait3A_40 : memref<128x128xf32, #tpu.memory_space<hbm>>) dst(%arg7 : memref<128x128xf32, #tpu.memory_space<vmem>>)
          tpu.yield
        }) : () -> ()
        %scan3A_27 = arith.constant 0 : i32
        %scan3A_28 = arith.constant 0 : i32
        %scan3A_29 = arith.constant 128 : i32
        %scan3A_30 = arith.addi %scan3A_28, %scan3A_29 : i32
        %scan3A_31 = arith.constant 1 : i32
        scf.for %scan3A_33 = %scan3A_28 to %scan3A_30 step %scan3A_31  : i32 {
          %get3A = arith.index_cast %scan3A_33 : i32 to index
          %get3A_34 = arith.constant 0 : index
          %get3A_35 = tpu.vector_load %arg7[%get3A, %get3A_34] {strides = array<i32>} : memref<128x128xf32, #tpu.memory_space<vmem>>, vector<1x16xf32>,
          %get3A_36 = vector.shape_cast %get3A_35 : vector<1x16xf32> to vector<16xf32>
          %get3A_37 = arith.index_cast %scan3A_33 : i32 to index
          %get3A_38 = arith.constant 0 : index
          %get3A_39 = tpu.vector_load %arg8[%get3A_37, %get3A_38] {strides = array<i32>} : memref<128x128xf32, #tpu.memory_space<vmem>>, vector<1x16xf32>,
          %get3A_40 = vector.shape_cast %get3A_39 : vector<1x16xf32> to vector<16xf32>
          %add3A_41 = arith.addf %get3A_36, %get3A_40 : vector<16xf32>
          %swap3A = arith.index_cast %scan3A_33 : i32 to index
          %swap3A_42 = arith.constant 0 : index
          %swap3A_43 = tpu.vector_load %arg7[%swap3A, %swap3A_42] {strides = array<i32>} : memref<128x128xf32, #tpu.memory_space<vmem>>, vector<1x16xf32>,
          %swap3A_44 = vector.shape_cast %swap3A_43 : vector<1x16xf32> to vector<16xf32>
          %swap3A_45 = vector.shape_cast %add3A_41 : vector<16xf32> to vector<1x16xf32>
          tpu.vector_store %arg7[%swap3A, %swap3A_42], %swap3A_45 {strides = array<i32>} : memref<128x128xf32, #tpu.memory_space<vmem>>, vector<1x16xf32>,
          %get3A_46 = arith.index_cast %scan3A_33 : i32 to index
          %get3A_47 = arith.constant 16 : index
          %get3A_48 = tpu.vector_load %arg7[%get3A_46, %get3A_47] {strides = array<i32>} : memref<128x128xf32, #tpu.memory_space<vmem>>, vector<1x16xf32>,
          %get3A_49 = vector.shape_cast %get3A_48 : vector<1x16xf32> to vector<16xf32>
          %get3A_50 = arith.index_cast %scan3A_33 : i32 to index
          %get3A_51 = arith.constant 16 : index
          %get3A_52 = tpu.vector_load %arg8[%get3A_50, %get3A_51] {strides = array<i32>} : memref<128x128xf32, #tpu.memory_space<vmem>>, vector<1x16xf32>,
          %get3A_53 = vector.shape_cast %get3A_52 : vector<1x16xf32> to vector<16xf32>
          %add3A_54 = arith.addf %get3A_49, %get3A_53 : vector<16xf32>
          %swap3A_55 = arith.index_cast %scan3A_33 : i32 to index
          %swap3A_56 = arith.constant 16 : index
          %swap3A_57 = tpu.vector_load %arg7[%swap3A_55, %swap3A_56] {strides = array<i32>} : memref<128x128xf32, #tpu.memory_space<vmem>>, vector<1x16xf32>,
          %swap3A_58 = vector.shape_cast %swap3A_57 : vector<1x16xf32> to vector<16xf32>
          %swap3A_59 = vector.shape_cast %add3A_54 : vector<16xf32> to vector<1x16xf32>
          tpu.vector_store %arg7[%swap3A_55, %swap3A_56], %swap3A_59 {strides = array<i32>} : memref<128x128xf32, #tpu.memory_space<vmem>>, vector<1x16xf32>,
          %get3A_60 = arith.index_cast %scan3A_33 : i32 to index
          %get3A_61 = arith.constant 32 : index
          %get3A_62 = tpu.vector_load %arg7[%get3A_60, %get3A_61] {strides = array<i32>} : memref<128x128xf32, #tpu.memory_space<vmem>>, vector<1x16xf32>,
          %get3A_63 = vector.shape_cast %get3A_62 : vector<1x16xf32> to vector<16xf32>
          %get3A_64 = arith.index_cast %scan3A_33 : i32 to index
          %get3A_65 = arith.constant 32 : index
          %get3A_66 = tpu.vector_load %arg8[%get3A_64, %get3A_65] {strides = array<i32>} : memref<128x128xf32, #tpu.memory_space<vmem>>, vector<1x16xf32>,
          %get3A_67 = vector.shape_cast %get3A_66 : vector<1x16xf32> to vector<16xf32>
          %add3A_68 = arith.addf %get3A_63, %get3A_67 : vector<16xf32>
          %swap3A_69 = arith.index_cast %scan3A_33 : i32 to index
          %swap3A_70 = arith.constant 32 : index
          %swap3A_71 = tpu.vector_load %arg7[%swap3A_69, %swap3A_70] {strides = array<i32>} : memref<128x128xf32, #tpu.memory_space<vmem>>, vector<1x16xf32>,
          %swap3A_72 = vector.shape_cast %swap3A_71 : vector<1x16xf32> to vector<16xf32>
          %swap3A_73 = vector.shape_cast %add3A_68 : vector<16xf32> to vector<1x16xf32>
          tpu.vector_store %arg7[%swap3A_69, %swap3A_70], %swap3A_73 {strides = array<i32>} : memref<128x128xf32, #tpu.memory_space<vmem>>, vector<1x16xf32>,
          %get3A_74 = arith.index_cast %scan3A_33 : i32 to index
          %get3A_75 = arith.constant 48 : index
          %get3A_76 = tpu.vector_load %arg7[%get3A_74, %get3A_75] {strides = array<i32>} : memref<128x128xf32, #tpu.memory_space<vmem>>, vector<1x16xf32>,
          %get3A_77 = vector.shape_cast %get3A_76 : vector<1x16xf32> to vector<16xf32>
          %get3A_78 = arith.index_cast %scan3A_33 : i32 to index
          %get3A_79 = arith.constant 48 : index
          %get3A_80 = tpu.vector_load %arg8[%get3A_78, %get3A_79] {strides = array<i32>} : memref<128x128xf32, #tpu.memory_space<vmem>>, vector<1x16xf32>,
          %get3A_81 = vector.shape_cast %get3A_80 : vector<1x16xf32> to vector<16xf32>
          %add3A_82 = arith.addf %get3A_77, %get3A_81 : vector<16xf32>
          %swap3A_83 = arith.index_cast %scan3A_33 : i32 to index
          %swap3A_84 = arith.constant 48 : index
          %swap3A_85 = tpu.vector_load %arg7[%swap3A_83, %swap3A_84] {strides = array<i32>} : memref<128x128xf32, #tpu.memory_space<vmem>>, vector<1x16xf32>,
          %swap3A_86 = vector.shape_cast %swap3A_85 : vector<1x16xf32> to vector<16xf32>
          %swap3A_87 = vector.shape_cast %add3A_82 : vector<16xf32> to vector<1x16xf32>
          tpu.vector_store %arg7[%swap3A_83, %swap3A_84], %swap3A_87 {strides = array<i32>} : memref<128x128xf32, #tpu.memory_space<vmem>>, vector<1x16xf32>,
          %get3A_88 = arith.index_cast %scan3A_33 : i32 to index
          %get3A_89 = arith.constant 64 : index
          %get3A_90 = tpu.vector_load %arg7[%get3A_88, %get3A_89] {strides = array<i32>} : memref<128x128xf32, #tpu.memory_space<vmem>>, vector<1x16xf32>,
          %get3A_91 = vector.shape_cast %get3A_90 : vector<1x16xf32> to vector<16xf32>
          %get3A_92 = arith.index_cast %scan3A_33 : i32 to index
          %get3A_93 = arith.constant 64 : index
          %get3A_94 = tpu.vector_load %arg8[%get3A_92, %get3A_93] {strides = array<i32>} : memref<128x128xf32, #tpu.memory_space<vmem>>, vector<1x16xf32>,
          %get3A_95 = vector.shape_cast %get3A_94 : vector<1x16xf32> to vector<16xf32>
          %add3A_96 = arith.addf %get3A_91, %get3A_95 : vector<16xf32>
          %swap3A_97 = arith.index_cast %scan3A_33 : i32 to index
          %swap3A_98 = arith.constant 64 : index
          %swap3A_99 = tpu.vector_load %arg7[%swap3A_97, %swap3A_98] {strides = array<i32>} : memref<128x128xf32, #tpu.memory_space<vmem>>, vector<1x16xf32>,
          %swap3A_100 = vector.shape_cast %swap3A_99 : vector<1x16xf32> to vector<16xf32>
          %swap3A_101 = vector.shape_cast %add3A_96 : vector<16xf32> to vector<1x16xf32>
          tpu.vector_store %arg7[%swap3A_97, %swap3A_98], %swap3A_101 {strides = array<i32>} : memref<128x128xf32, #tpu.memory_space<vmem>>, vector<1x16xf32>,
          %get3A_102 = arith.index_cast %scan3A_33 : i32 to index
          %get3A_103 = arith.constant 80 : index
          %get3A_104 = tpu.vector_load %arg7[%get3A_102, %get3A_103] {strides = array<i32>} : memref<128x128xf32, #tpu.memory_space<vmem>>, vector<1x16xf32>,
          %get3A_105 = vector.shape_cast %get3A_104 : vector<1x16xf32> to vector<16xf32>
          %get3A_106 = arith.index_cast %scan3A_33 : i32 to index
          %get3A_107 = arith.constant 80 : index
          %get3A_108 = tpu.vector_load %arg8[%get3A_106, %get3A_107] {strides = array<i32>} : memref<128x128xf32, #tpu.memory_space<vmem>>, vector<1x16xf32>,
          %get3A_109 = vector.shape_cast %get3A_108 : vector<1x16xf32> to vector<16xf32>
          %add3A_110 = arith.addf %get3A_105, %get3A_109 : vector<16xf32>
          %swap3A_111 = arith.index_cast %scan3A_33 : i32 to index
          %swap3A_112 = arith.constant 80 : index
          %swap3A_113 = tpu.vector_load %arg7[%swap3A_111, %swap3A_112] {strides = array<i32>} : memref<128x128xf32, #tpu.memory_space<vmem>>, vector<1x16xf32>,
          %swap3A_114 = vector.shape_cast %swap3A_113 : vector<1x16xf32> to vector<16xf32>
          %swap3A_115 = vector.shape_cast %add3A_110 : vector<16xf32> to vector<1x16xf32>
          tpu.vector_store %arg7[%swap3A_111, %swap3A_112], %swap3A_115 {strides = array<i32>} : memref<128x128xf32, #tpu.memory_space<vmem>>, vector<1x16xf32>,
          %get3A_116 = arith.index_cast %scan3A_33 : i32 to index
          %get3A_117 = arith.constant 96 : index
          %get3A_118 = tpu.vector_load %arg7[%get3A_116, %get3A_117] {strides = array<i32>} : memref<128x128xf32, #tpu.memory_space<vmem>>, vector<1x16xf32>,
          %get3A_119 = vector.shape_cast %get3A_118 : vector<1x16xf32> to vector<16xf32>
          %get3A_120 = arith.index_cast %scan3A_33 : i32 to index
          %get3A_121 = arith.constant 96 : index
          %get3A_122 = tpu.vector_load %arg8[%get3A_120, %get3A_121] {strides = array<i32>} : memref<128x128xf32, #tpu.memory_space<vmem>>, vector<1x16xf32>,
          %get3A_123 = vector.shape_cast %get3A_122 : vector<1x16xf32> to vector<16xf32>
          %add3A_124 = arith.addf %get3A_119, %get3A_123 : vector<16xf32>
          %swap3A_125 = arith.index_cast %scan3A_33 : i32 to index
          %swap3A_126 = arith.constant 96 : index
          %swap3A_127 = tpu.vector_load %arg7[%swap3A_125, %swap3A_126] {strides = array<i32>} : memref<128x128xf32, #tpu.memory_space<vmem>>, vector<1x16xf32>,
          %swap3A_128 = vector.shape_cast %swap3A_127 : vector<1x16xf32> to vector<16xf32>
          %swap3A_129 = vector.shape_cast %add3A_124 : vector<16xf32> to vector<1x16xf32>
          tpu.vector_store %arg7[%swap3A_125, %swap3A_126], %swap3A_129 {strides = array<i32>} : memref<128x128xf32, #tpu.memory_space<vmem>>, vector<1x16xf32>,
          %get3A_130 = arith.index_cast %scan3A_33 : i32 to index
          %get3A_131 = arith.constant 112 : index
          %get3A_132 = tpu.vector_load %arg7[%get3A_130, %get3A_131] {strides = array<i32>} : memref<128x128xf32, #tpu.memory_space<vmem>>, vector<1x16xf32>,
          %get3A_133 = vector.shape_cast %get3A_132 : vector<1x16xf32> to vector<16xf32>
          %get3A_134 = arith.index_cast %scan3A_33 : i32 to index
          %get3A_135 = arith.constant 112 : index
          %get3A_136 = tpu.vector_load %arg8[%get3A_134, %get3A_135] {strides = array<i32>} : memref<128x128xf32, #tpu.memory_space<vmem>>, vector<1x16xf32>,
          %get3A_137 = vector.shape_cast %get3A_136 : vector<1x16xf32> to vector<16xf32>
          %add3A_138 = arith.addf %get3A_133, %get3A_137 : vector<16xf32>
          %swap3A_139 = arith.index_cast %scan3A_33 : i32 to index
          %swap3A_140 = arith.constant 112 : index
          %swap3A_141 = tpu.vector_load %arg7[%swap3A_139, %swap3A_140] {strides = array<i32>} : memref<128x128xf32, #tpu.memory_space<vmem>>, vector<1x16xf32>,
          %swap3A_142 = vector.shape_cast %swap3A_141 : vector<1x16xf32> to vector<16xf32>
          %swap3A_143 = vector.shape_cast %add3A_138 : vector<16xf32> to vector<1x16xf32>
          tpu.vector_store %arg7[%swap3A_139, %swap3A_140], %swap3A_143 {strides = array<i32>} : memref<128x128xf32, #tpu.memory_space<vmem>>, vector<1x16xf32>,
        }
        %scan3A_32 = arith.constant 128 : i32
        "tpu.region"() ({
          %run_scoped3A = tpu.sem_alloc : memref<!tpu.dma_semaphore, #tpu.memory_space<semaphore_mem>>
          %dma_start3A_33 = arith.constant 0 : i32
          %dma_start3A_34 = tpu.memref_slice %arg5[%multiple_of3A_16, %dma_start3A_33] : memref<320000x128xf32, #tpu.memory_space<hbm>> -> memref<128x128xf32, #tpu.memory_space<hbm>>
          %dma_start3A_35 = arith.constant 0 : i32
          %dma_start3A_36 = tpu.memref_slice %arg5[%multiple_of3A_16, %dma_start3A_35] : memref<320000x128xf32, #tpu.memory_space<hbm>> -> memref<128x128xf32, #tpu.memory_space<hbm>>
          tpu.enqueue_dma source(%arg7 : memref<128x128xf32, #tpu.memory_space<vmem>>) target(%dma_start3A_36 : memref<128x128xf32, #tpu.memory_space<hbm>>) target_semaphore(%run_scoped3A : memref<!tpu.dma_semaphore, #tpu.memory_space<semaphore_mem>>)
          %dma_wait3A_37 = arith.constant 0 : i32
          %dma_wait3A_38 = tpu.memref_slice %arg5[%multiple_of3A_16, %dma_wait3A_37] : memref<320000x128xf32, #tpu.memory_space<hbm>> -> memref<128x128xf32, #tpu.memory_space<hbm>>
          %dma_wait3A_39 = arith.constant 0 : i32
          %dma_wait3A_40 = tpu.memref_slice %arg5[%multiple_of3A_16, %dma_wait3A_39] : memref<320000x128xf32, #tpu.memory_space<hbm>> -> memref<128x128xf32, #tpu.memory_space<hbm>>
          tpu.wait_dma2 semaphore(%run_scoped3A : memref<!tpu.dma_semaphore, #tpu.memory_space<semaphore_mem>>) src(%arg7 : memref<128x128xf32, #tpu.memory_space<vmem>>) dst(%dma_wait3A_40 : memref<128x128xf32, #tpu.memory_space<hbm>>)
          tpu.yield
        }) : () -> ()
      } else {
      }
    }
    %scan3A_7 = arith.constant 80 : i32
    return
  }
}

#map = affine_map<(d0, d1) -> (0, 0)>
#map1 = affine_map<(d0, d1) -> (0, 0, 0)>
module attributes {stable_mosaic.version = 14 : i64} {
  func.func @_segsum_body(%arg0: i32, %arg1: i32, %arg2: memref<320000x128xf32, #tpu.memory_space<hbm>>, %arg3: memref<2560x128xi32, #tpu.memory_space<hbm>>, %arg4: memref<640x128xf32, #tpu.memory_space<hbm>>, %arg5: memref<2x10240x128xf32, #tpu.memory_space<hbm>>, %arg6: memref<80x128xi32, #tpu.memory_space<vmem>>, %arg7: memref<128x128xf32, #tpu.memory_space<vmem>>, %arg8: memref<10240x128xf32, #tpu.memory_space<vmem_shared>>) attributes {dimension_semantics = [#tpu.dimension_semantics<core_parallel>, #tpu.dimension_semantics<subcore_parallel>], iteration_bounds = array<i64: 2, 16>, scalar_prefetch = 0 : i64, scratch_operands = 3 : i64, tpu.core_type = #tpu.core_type<sc_vector_subcore>, window_params = [{transform_indices = #map}, {transform_indices = #map}, {transform_indices = #map}, {transform_indices = #map1}]} {
    %mul3A = arith.constant 16 : i32
    %mul3A_0 = arith.muli %arg0, %mul3A : i32
    %add3A = arith.addi %mul3A_0, %arg1 : i32
    %mul3A_1 = arith.constant 640 : i32
    %mul3A_2 = arith.muli %arg1, %mul3A_1 : i32
    %multiple_of3A = tpu.assume_multiple %mul3A_2, 8 : i32
    "tpu.region"() ({
      %run_scoped3A = tpu.sem_alloc : memref<!tpu.dma_semaphore, #tpu.memory_space<semaphore_mem>>
      %dma_start3A = arith.constant 0 : i32
      %dma_start3A_12 = tpu.memref_slice %arg8[%multiple_of3A, %dma_start3A] : memref<10240x128xf32, #tpu.memory_space<vmem_shared>> -> memref<640x128xf32, #tpu.memory_space<vmem_shared>>
      tpu.enqueue_dma source(%arg4 : memref<640x128xf32, #tpu.memory_space<hbm>>) target(%dma_start3A_12 : memref<640x128xf32, #tpu.memory_space<vmem_shared>>) target_semaphore(%run_scoped3A : memref<!tpu.dma_semaphore, #tpu.memory_space<semaphore_mem>>)
      %dma_wait3A = arith.constant 0 : i32
      %dma_wait3A_13 = tpu.memref_slice %arg8[%multiple_of3A, %dma_wait3A] : memref<10240x128xf32, #tpu.memory_space<vmem_shared>> -> memref<640x128xf32, #tpu.memory_space<vmem_shared>>
      tpu.wait_dma2 semaphore(%run_scoped3A : memref<!tpu.dma_semaphore, #tpu.memory_space<semaphore_mem>>) src(%arg4 : memref<640x128xf32, #tpu.memory_space<hbm>>) dst(%dma_wait3A_13 : memref<640x128xf32, #tpu.memory_space<vmem_shared>>)
      tpu.yield
    }) : () -> ()
    %mul3A_3 = arith.constant 80 : i32
    %mul3A_4 = arith.muli %add3A, %mul3A_3 : i32
    %multiple_of3A_5 = tpu.assume_multiple %mul3A_4, 8 : i32
    "tpu.region"() ({
      %run_scoped3A = tpu.sem_alloc : memref<!tpu.dma_semaphore, #tpu.memory_space<semaphore_mem>>
      %dma_start3A = arith.constant 0 : i32
      %dma_start3A_12 = tpu.memref_slice %arg3[%multiple_of3A_5, %dma_start3A] : memref<2560x128xi32, #tpu.memory_space<hbm>> -> memref<80x128xi32, #tpu.memory_space<hbm>>
      %dma_start3A_13 = arith.constant 0 : i32
      %dma_start3A_14 = tpu.memref_slice %arg3[%multiple_of3A_5, %dma_start3A_13] : memref<2560x128xi32, #tpu.memory_space<hbm>> -> memref<80x128xi32, #tpu.memory_space<hbm>>
      tpu.enqueue_dma source(%dma_start3A_14 : memref<80x128xi32, #tpu.memory_space<hbm>>) target(%arg6 : memref<80x128xi32, #tpu.memory_space<vmem>>) target_semaphore(%run_scoped3A : memref<!tpu.dma_semaphore, #tpu.memory_space<semaphore_mem>>)
      %dma_wait3A = arith.constant 0 : i32
      %dma_wait3A_15 = tpu.memref_slice %arg3[%multiple_of3A_5, %dma_wait3A] : memref<2560x128xi32, #tpu.memory_space<hbm>> -> memref<80x128xi32, #tpu.memory_space<hbm>>
      %dma_wait3A_16 = arith.constant 0 : i32
      %dma_wait3A_17 = tpu.memref_slice %arg3[%multiple_of3A_5, %dma_wait3A_16] : memref<2560x128xi32, #tpu.memory_space<hbm>> -> memref<80x128xi32, #tpu.memory_space<hbm>>
      tpu.wait_dma2 semaphore(%run_scoped3A : memref<!tpu.dma_semaphore, #tpu.memory_space<semaphore_mem>>) src(%dma_wait3A_17 : memref<80x128xi32, #tpu.memory_space<hbm>>) dst(%arg6 : memref<80x128xi32, #tpu.memory_space<vmem>>)
      tpu.yield
    }) : () -> ()
    %barrier3A = arith.constant 0 : index
    tpu.barrier barrier_id(%barrier3A)
    %scan3A = arith.constant 0 : i32
    %scan3A_6 = arith.constant 0 : i32
    %scan3A_7 = arith.constant 80 : i32
    %scan3A_8 = arith.addi %scan3A_6, %scan3A_7 : i32
    %scan3A_9 = arith.constant 1 : i32
    scf.for %scan3A_12 = %scan3A_6 to %scan3A_8 step %scan3A_9  : i32 {
      %mul3A_13 = arith.constant 80 : i32
      %mul3A_14 = arith.muli %add3A, %mul3A_13 : i32
      %add3A_15 = arith.addi %mul3A_14, %scan3A_12 : i32
      %lt3A = arith.constant 2500 : i32
      %lt3A_16 = arith.cmpi slt, %add3A_15, %lt3A : i32
      %convert_element_type3A = arith.extui %lt3A_16 : i1 to i32
      %cond3A = arith.constant 0 : i32
      %cond3A_17 = arith.cmpi ne, %convert_element_type3A, %cond3A : i32
      scf.if %cond3A_17 {
        %mul3A_18 = arith.constant 128 : i32
        %mul3A_19 = arith.muli %add3A_15, %mul3A_18 : i32
        %multiple_of3A_20 = tpu.assume_multiple %mul3A_19, 8 : i32
        "tpu.region"() ({
          %run_scoped3A = tpu.sem_alloc : memref<!tpu.dma_semaphore, #tpu.memory_space<semaphore_mem>>
          %dma_start3A = arith.constant 0 : i32
          %dma_start3A_21 = tpu.memref_slice %arg2[%multiple_of3A_20, %dma_start3A] : memref<320000x128xf32, #tpu.memory_space<hbm>> -> memref<128x128xf32, #tpu.memory_space<hbm>>
          %dma_start3A_22 = arith.constant 0 : i32
          %dma_start3A_23 = tpu.memref_slice %arg2[%multiple_of3A_20, %dma_start3A_22] : memref<320000x128xf32, #tpu.memory_space<hbm>> -> memref<128x128xf32, #tpu.memory_space<hbm>>
          tpu.enqueue_dma source(%dma_start3A_23 : memref<128x128xf32, #tpu.memory_space<hbm>>) target(%arg7 : memref<128x128xf32, #tpu.memory_space<vmem>>) target_semaphore(%run_scoped3A : memref<!tpu.dma_semaphore, #tpu.memory_space<semaphore_mem>>)
          %dma_wait3A = arith.constant 0 : i32
          %dma_wait3A_24 = tpu.memref_slice %arg2[%multiple_of3A_20, %dma_wait3A] : memref<320000x128xf32, #tpu.memory_space<hbm>> -> memref<128x128xf32, #tpu.memory_space<hbm>>
          %dma_wait3A_25 = arith.constant 0 : i32
          %dma_wait3A_26 = tpu.memref_slice %arg2[%multiple_of3A_20, %dma_wait3A_25] : memref<320000x128xf32, #tpu.memory_space<hbm>> -> memref<128x128xf32, #tpu.memory_space<hbm>>
          tpu.wait_dma2 semaphore(%run_scoped3A : memref<!tpu.dma_semaphore, #tpu.memory_space<semaphore_mem>>) src(%dma_wait3A_26 : memref<128x128xf32, #tpu.memory_space<hbm>>) dst(%arg7 : memref<128x128xf32, #tpu.memory_space<vmem>>)
          tpu.yield
        }) : () -> ()
        "tpu.region"() ({
          %run_scoped3A = tpu.sem_alloc : memref<!tpu.dma_semaphore, #tpu.memory_space<semaphore_mem>>
          %dma_start3A = arith.constant 0 : i32
          %dma_start3A_21 = tpu.memref_slice %arg6[%scan3A_12, %dma_start3A] : memref<80x128xi32, #tpu.memory_space<vmem>> -> memref<1x128xi32, #tpu.memory_space<vmem>>
          %dma_start3A_22 = tpu.memref_squeeze %dma_start3A_21 : memref<1x128xi32, #tpu.memory_space<vmem>> -> memref<128xi32, #tpu.memory_space<vmem>>
          %dma_start3A_23 = arith.constant 0 : i32
          %dma_start3A_24 = arith.constant 0 : i32
          %dma_start3A_25 = tpu.memref_slice %arg8[%dma_start3A_23, %dma_start3A_24] : memref<10240x128xf32, #tpu.memory_space<vmem_shared>> -> memref<10240x128xf32, #tpu.memory_space<vmem_shared>>
          tpu.enqueue_indirect_dma source(%arg7 : memref<128x128xf32, #tpu.memory_space<vmem>>) target(%dma_start3A_25 : memref<10240x128xf32, #tpu.memory_space<vmem_shared>>) offsets(%dma_start3A_22 : memref<128xi32, #tpu.memory_space<vmem>>) semaphore(%run_scoped3A : memref<!tpu.dma_semaphore, #tpu.memory_space<semaphore_mem>>) {add = true}
          %dma_wait3A = arith.constant 0 : i32
          %dma_wait3A_26 = tpu.memref_slice %arg6[%scan3A_12, %dma_wait3A] : memref<80x128xi32, #tpu.memory_space<vmem>> -> memref<1x128xi32, #tpu.memory_space<vmem>>
          %dma_wait3A_27 = tpu.memref_squeeze %dma_wait3A_26 : memref<1x128xi32, #tpu.memory_space<vmem>> -> memref<128xi32, #tpu.memory_space<vmem>>
          %dma_wait3A_28 = arith.constant 0 : i32
          %dma_wait3A_29 = arith.constant 0 : i32
          %dma_wait3A_30 = tpu.memref_slice %arg8[%dma_wait3A_28, %dma_wait3A_29] : memref<10240x128xf32, #tpu.memory_space<vmem_shared>> -> memref<10240x128xf32, #tpu.memory_space<vmem_shared>>
          tpu.wait_indirect_dma semaphore(%run_scoped3A : memref<!tpu.dma_semaphore, #tpu.memory_space<semaphore_mem>>) src(%arg7 : memref<128x128xf32, #tpu.memory_space<vmem>>) dst(%dma_wait3A_30 : memref<10240x128xf32, #tpu.memory_space<vmem_shared>>)
          tpu.yield
        }) : () -> ()
      } else {
      }
    }
    %scan3A_10 = arith.constant 80 : i32
    %barrier3A_11 = arith.constant 0 : index
    tpu.barrier barrier_id(%barrier3A_11)
    "tpu.region"() ({
      %run_scoped3A = tpu.sem_alloc : memref<!tpu.dma_semaphore, #tpu.memory_space<semaphore_mem>>
      %dma_start3A = arith.constant 0 : i32
      %dma_start3A_12 = tpu.memref_slice %arg5[%arg0, %multiple_of3A, %dma_start3A] : memref<2x10240x128xf32, #tpu.memory_space<hbm>> -> memref<1x640x128xf32, #tpu.memory_space<hbm>>
      %dma_start3A_13 = tpu.memref_squeeze %dma_start3A_12 : memref<1x640x128xf32, #tpu.memory_space<hbm>> -> memref<640x128xf32, #tpu.memory_space<hbm>>
      %dma_start3A_14 = arith.constant 0 : i32
      %dma_start3A_15 = tpu.memref_slice %arg8[%multiple_of3A, %dma_start3A_14] : memref<10240x128xf32, #tpu.memory_space<vmem_shared>> -> memref<640x128xf32, #tpu.memory_space<vmem_shared>>
      tpu.enqueue_dma source(%dma_start3A_15 : memref<640x128xf32, #tpu.memory_space<vmem_shared>>) target(%dma_start3A_13 : memref<640x128xf32, #tpu.memory_space<hbm>>) target_semaphore(%run_scoped3A : memref<!tpu.dma_semaphore, #tpu.memory_space<semaphore_mem>>)
      %dma_wait3A = arith.constant 0 : i32
      %dma_wait3A_16 = tpu.memref_slice %arg5[%arg0, %multiple_of3A, %dma_wait3A] : memref<2x10240x128xf32, #tpu.memory_space<hbm>> -> memref<1x640x128xf32, #tpu.memory_space<hbm>>
      %dma_wait3A_17 = tpu.memref_squeeze %dma_wait3A_16 : memref<1x640x128xf32, #tpu.memory_space<hbm>> -> memref<640x128xf32, #tpu.memory_space<hbm>>
      %dma_wait3A_18 = arith.constant 0 : i32
      %dma_wait3A_19 = tpu.memref_slice %arg8[%multiple_of3A, %dma_wait3A_18] : memref<10240x128xf32, #tpu.memory_space<vmem_shared>> -> memref<640x128xf32, #tpu.memory_space<vmem_shared>>
      tpu.wait_dma2 semaphore(%run_scoped3A : memref<!tpu.dma_semaphore, #tpu.memory_space<semaphore_mem>>) src(%dma_wait3A_19 : memref<640x128xf32, #tpu.memory_space<vmem_shared>>) dst(%dma_wait3A_17 : memref<640x128xf32, #tpu.memory_space<hbm>>)
      tpu.yield
    }) : () -> ()
    return
  }
}

module attributes {stable_mosaic.version = 14 : i64} {
  func.func @_phi_body(%arg0: i32, %arg1: memref<2000x128xf32, #tpu.memory_space<vmem>>, %arg2: memref<128x128xf32, #tpu.memory_space<vmem>>, %arg3: memref<1x128xf32, #tpu.memory_space<vmem>>, %arg4: memref<128x128xf32, #tpu.memory_space<vmem>>, %arg5: memref<1x128xf32, #tpu.memory_space<vmem>>, %arg6: memref<2000x128xf32, #tpu.memory_space<vmem>>) attributes {dimension_semantics = [#tpu.dimension_semantics<arbitrary>], iteration_bounds = array<i64: 160>, scalar_prefetch = 0 : i64, scratch_operands = 0 : i64, tpu.core_type = #tpu.core_type<tc>, window_params = [{transform_indices = @transform_0, window_bounds = array<i64: 2000, 128>}, {pipeline_mode = #tpu.pipeline_mode<synchronous>, transform_indices = @transform_1, window_bounds = array<i64: 128, 128>}, {pipeline_mode = #tpu.pipeline_mode<synchronous>, transform_indices = @transform_2, window_bounds = array<i64: 1, 128>}, {pipeline_mode = #tpu.pipeline_mode<synchronous>, transform_indices = @transform_3, window_bounds = array<i64: 128, 128>}, {pipeline_mode = #tpu.pipeline_mode<synchronous>, transform_indices = @transform_4, window_bounds = array<i64: 1, 128>}, {transform_indices = @transform_5, window_bounds = array<i64: 2000, 128>}]} {
    %get3A = arith.constant 0 : index
    %get3A_0 = arith.constant 0 : index
    %get3A_1 = vector.load %arg1[%get3A, %get3A_0] : memref<2000x128xf32, #tpu.memory_space<vmem>>, vector<2000x128xf32>
    %get3A_2 = arith.constant 0 : index
    %get3A_3 = arith.constant 0 : index
    %get3A_4 = vector.load %arg2[%get3A_2, %get3A_3] : memref<128x128xf32, #tpu.memory_space<vmem>>, vector<128x128xf32>
    %dot_general3A = arith.constant dense<0.000000e+00> : vector<2000x128xf32>
    %dot_general3A_5 = tpu.matmul %get3A_1, %get3A_4, %dot_general3A {dimension_numbers = #tpu.dot_dimension_numbers<[1], [0], [0], [1], [0, 0, 1, 1], [], []>, transpose_lhs_hint = false} : vector<2000x128xf32>, vector<128x128xf32>, vector<2000x128xf32> -> vector<2000x128xf32>
    %get3A_6 = arith.constant 0 : index
    %get3A_7 = arith.constant 0 : index
    %get3A_8 = vector.load %arg3[%get3A_6, %get3A_7] : memref<1x128xf32, #tpu.memory_space<vmem>>, vector<1x128xf32>
    %add3A = vector.broadcast %get3A_8 : vector<1x128xf32> to vector<2000x128xf32>
    %add3A_9 = arith.addf %dot_general3A_5, %add3A : vector<2000x128xf32>
    %max3A = arith.constant 0.000000e+00 : f32
    %max3A_10 = vector.broadcast %max3A : f32 to vector<2000x128xf32>
    %max3A_11 = arith.maximumf %add3A_9, %max3A_10 : vector<2000x128xf32>
    %get3A_12 = arith.constant 0 : index
    %get3A_13 = arith.constant 0 : index
    %get3A_14 = vector.load %arg4[%get3A_12, %get3A_13] : memref<128x128xf32, #tpu.memory_space<vmem>>, vector<128x128xf32>
    %dot_general3A_15 = arith.constant dense<0.000000e+00> : vector<2000x128xf32>
    %dot_general3A_16 = tpu.matmul %max3A_11, %get3A_14, %dot_general3A_15 {dimension_numbers = #tpu.dot_dimension_numbers<[1], [0], [0], [1], [0, 0, 1, 1], [], []>, transpose_lhs_hint = false} : vector<2000x128xf32>, vector<128x128xf32>, vector<2000x128xf32> -> vector<2000x128xf32>
    %get3A_17 = arith.constant 0 : index
    %get3A_18 = arith.constant 0 : index
    %get3A_19 = vector.load %arg5[%get3A_17, %get3A_18] : memref<1x128xf32, #tpu.memory_space<vmem>>, vector<1x128xf32>
    %add3A_20 = vector.broadcast %get3A_19 : vector<1x128xf32> to vector<2000x128xf32>
    %add3A_21 = arith.addf %dot_general3A_16, %add3A_20 : vector<2000x128xf32>
    %swap3A = arith.constant 0 : index
    %swap3A_22 = arith.constant 0 : index
    %swap3A_23 = vector.load %arg6[%swap3A, %swap3A_22] : memref<2000x128xf32, #tpu.memory_space<vmem>>, vector<2000x128xf32>
    tpu.vector_store %arg6[%swap3A, %swap3A_22], %add3A_21 {strides = array<i32>} : memref<2000x128xf32, #tpu.memory_space<vmem>>, vector<2000x128xf32>,
    return
  }
  func.func @transform_0(%arg0: i32) -> (i32, i32) {
    %c0_i32 = arith.constant 0 : i32
    %c0_i32_0 = arith.constant 0 : i32
    return %arg0, %c0_i32 : i32, i32
  }
  func.func @transform_1(%arg0: i32) -> (i32, i32) {
    %c0_i32 = arith.constant 0 : i32
    %c0_i32_0 = arith.constant 0 : i32
    %c0_i32_1 = arith.constant 0 : i32
    return %c0_i32, %c0_i32_0 : i32, i32
  }
  func.func @transform_2(%arg0: i32) -> (i32, i32) {
    %c0_i32 = arith.constant 0 : i32
    %c0_i32_0 = arith.constant 0 : i32
    %c0_i32_1 = arith.constant 0 : i32
    return %c0_i32, %c0_i32_0 : i32, i32
  }
  func.func @transform_3(%arg0: i32) -> (i32, i32) {
    %c0_i32 = arith.constant 0 : i32
    %c0_i32_0 = arith.constant 0 : i32
    %c0_i32_1 = arith.constant 0 : i32
    return %c0_i32, %c0_i32_0 : i32, i32
  }
  func.func @transform_4(%arg0: i32) -> (i32, i32) {
    %c0_i32 = arith.constant 0 : i32
    %c0_i32_0 = arith.constant 0 : i32
    %c0_i32_1 = arith.constant 0 : i32
    return %c0_i32, %c0_i32_0 : i32, i32
  }
  func.func @transform_5(%arg0: i32) -> (i32, i32) {
    %c0_i32 = arith.constant 0 : i32
    %c0_i32_0 = arith.constant 0 : i32
    return %arg0, %c0_i32 : i32, i32
  }
}

module attributes {stable_mosaic.version = 14 : i64} {
  func.func @_rho_body(%arg0: i32, %arg1: memref<2x2000x128xf32, #tpu.memory_space<vmem>>, %arg2: memref<128x128xf32, #tpu.memory_space<vmem>>, %arg3: memref<1x128xf32, #tpu.memory_space<vmem>>, %arg4: memref<128x128xf32, #tpu.memory_space<vmem>>, %arg5: memref<1x128xf32, #tpu.memory_space<vmem>>, %arg6: memref<2000x128xf32, #tpu.memory_space<vmem>>) attributes {dimension_semantics = [#tpu.dimension_semantics<arbitrary>], iteration_bounds = array<i64: 5>, scalar_prefetch = 0 : i64, scratch_operands = 0 : i64, tpu.core_type = #tpu.core_type<tc>, window_params = [{transform_indices = @transform_0, window_bounds = array<i64: 2, 2000, 128>}, {pipeline_mode = #tpu.pipeline_mode<synchronous>, transform_indices = @transform_1, window_bounds = array<i64: 128, 128>}, {pipeline_mode = #tpu.pipeline_mode<synchronous>, transform_indices = @transform_2, window_bounds = array<i64: 1, 128>}, {pipeline_mode = #tpu.pipeline_mode<synchronous>, transform_indices = @transform_3, window_bounds = array<i64: 128, 128>}, {pipeline_mode = #tpu.pipeline_mode<synchronous>, transform_indices = @transform_4, window_bounds = array<i64: 1, 128>}, {transform_indices = @transform_5, window_bounds = array<i64: 2000, 128>}]} {
    %get3A = arith.constant 0 : index
    %get3A_0 = arith.constant 0 : index
    %get3A_1 = arith.constant 0 : index
    %get3A_2 = vector.load %arg1[%get3A, %get3A_0, %get3A_1] : memref<2x2000x128xf32, #tpu.memory_space<vmem>>, vector<1x2000x128xf32>
    %get3A_3 = vector.shape_cast %get3A_2 : vector<1x2000x128xf32> to vector<2000x128xf32>
    %get3A_4 = arith.constant 1 : index
    %get3A_5 = arith.constant 0 : index
    %get3A_6 = arith.constant 0 : index
    %get3A_7 = vector.load %arg1[%get3A_4, %get3A_5, %get3A_6] : memref<2x2000x128xf32, #tpu.memory_space<vmem>>, vector<1x2000x128xf32>
    %get3A_8 = vector.shape_cast %get3A_7 : vector<1x2000x128xf32> to vector<2000x128xf32>
    %add3A = arith.addf %get3A_3, %get3A_8 : vector<2000x128xf32>
    %get3A_9 = arith.constant 0 : index
    %get3A_10 = arith.constant 0 : index
    %get3A_11 = vector.load %arg2[%get3A_9, %get3A_10] : memref<128x128xf32, #tpu.memory_space<vmem>>, vector<128x128xf32>
    %dot_general3A = arith.constant dense<0.000000e+00> : vector<2000x128xf32>
    %dot_general3A_12 = tpu.matmul %add3A, %get3A_11, %dot_general3A {dimension_numbers = #tpu.dot_dimension_numbers<[1], [0], [0], [1], [0, 0, 1, 1], [], []>, transpose_lhs_hint = false} : vector<2000x128xf32>, vector<128x128xf32>, vector<2000x128xf32> -> vector<2000x128xf32>
    %get3A_13 = arith.constant 0 : index
    %get3A_14 = arith.constant 0 : index
    %get3A_15 = vector.load %arg3[%get3A_13, %get3A_14] : memref<1x128xf32, #tpu.memory_space<vmem>>, vector<1x128xf32>
    %add3A_16 = vector.broadcast %get3A_15 : vector<1x128xf32> to vector<2000x128xf32>
    %add3A_17 = arith.addf %dot_general3A_12, %add3A_16 : vector<2000x128xf32>
    %max3A = arith.constant 0.000000e+00 : f32
    %max3A_18 = vector.broadcast %max3A : f32 to vector<2000x128xf32>
    %max3A_19 = arith.maximumf %add3A_17, %max3A_18 : vector<2000x128xf32>
    %get3A_20 = arith.constant 0 : index
    %get3A_21 = arith.constant 0 : index
    %get3A_22 = vector.load %arg4[%get3A_20, %get3A_21] : memref<128x128xf32, #tpu.memory_space<vmem>>, vector<128x128xf32>
    %dot_general3A_23 = arith.constant dense<0.000000e+00> : vector<2000x128xf32>
    %dot_general3A_24 = tpu.matmul %max3A_19, %get3A_22, %dot_general3A_23 {dimension_numbers = #tpu.dot_dimension_numbers<[1], [0], [0], [1], [0, 0, 1, 1], [], []>, transpose_lhs_hint = false} : vector<2000x128xf32>, vector<128x128xf32>, vector<2000x128xf32> -> vector<2000x128xf32>
    %get3A_25 = arith.constant 0 : index
    %get3A_26 = arith.constant 0 : index
    %get3A_27 = vector.load %arg5[%get3A_25, %get3A_26] : memref<1x128xf32, #tpu.memory_space<vmem>>, vector<1x128xf32>
    %add3A_28 = vector.broadcast %get3A_27 : vector<1x128xf32> to vector<2000x128xf32>
    %add3A_29 = arith.addf %dot_general3A_24, %add3A_28 : vector<2000x128xf32>
    %swap3A = arith.constant 0 : index
    %swap3A_30 = arith.constant 0 : index
    %swap3A_31 = vector.load %arg6[%swap3A, %swap3A_30] : memref<2000x128xf32, #tpu.memory_space<vmem>>, vector<2000x128xf32>
    tpu.vector_store %arg6[%swap3A, %swap3A_30], %add3A_29 {strides = array<i32>} : memref<2000x128xf32, #tpu.memory_space<vmem>>, vector<2000x128xf32>,
    return
  }
  func.func @transform_0(%arg0: i32) -> (i32, i32, i32) {
    %c0_i32 = arith.constant 0 : i32
    %c0_i32_0 = arith.constant 0 : i32
    %c0_i32_1 = arith.constant 0 : i32
    return %c0_i32, %arg0, %c0_i32_0 : i32, i32, i32
  }
  func.func @transform_1(%arg0: i32) -> (i32, i32) {
    %c0_i32 = arith.constant 0 : i32
    %c0_i32_0 = arith.constant 0 : i32
    %c0_i32_1 = arith.constant 0 : i32
    return %c0_i32, %c0_i32_0 : i32, i32
  }
  func.func @transform_2(%arg0: i32) -> (i32, i32) {
    %c0_i32 = arith.constant 0 : i32
    %c0_i32_0 = arith.constant 0 : i32
    %c0_i32_1 = arith.constant 0 : i32
    return %c0_i32, %c0_i32_0 : i32, i32
  }
  func.func @transform_3(%arg0: i32) -> (i32, i32) {
    %c0_i32 = arith.constant 0 : i32
    %c0_i32_0 = arith.constant 0 : i32
    %c0_i32_1 = arith.constant 0 : i32
    return %c0_i32, %c0_i32_0 : i32, i32
  }
  func.func @transform_4(%arg0: i32) -> (i32, i32) {
    %c0_i32 = arith.constant 0 : i32
    %c0_i32_0 = arith.constant 0 : i32
    %c0_i32_1 = arith.constant 0 : i32
    return %c0_i32, %c0_i32_0 : i32, i32
  }
  func.func @transform_5(%arg0: i32) -> (i32, i32) {
    %c0_i32 = arith.constant 0 : i32
    %c0_i32_0 = arith.constant 0 : i32
    return %arg0, %c0_i32 : i32, i32
  }
}

</mosaic_0001>

<sc_bundles>
// kernel: kernel.6.cloned.1.call-start
scs
__scs_entry_jumppad:
0x0: {  	(pc) =	sbr.rel $0x88, $3  }
0x1: {  	(tag) =	ssettag $0x0;
	lr =	simm.s32 $0x1  }
0x2: {  	[smem:$0x3F97] =	sst lr;
	_ =	strace $0xD0000000  }
0x3: {  	_ = 	snop  }
0x4: {  	_ = 	snop  }
0x5: {  	_ = 	snop  }
0x6: {  	_ = 	snop  }
0x7: {  	_ = 	snop  }
__scs_overlays_trampoline_lowered:
0x8: {  	[smem:$0x3FA6] =	sst s0  }
0x9: {  	[smem:$0x3FA7] =	sst s1  }
0xa: {  	[smem:$0x3FA8] =	sst s2  }
0xb: {  	[smem:$0x3FA9] =	sst s3  }
0xc: {  	[smem:$0x3FAA] =	sst s4  }
0xd: {  	[smem:$0x3FAB] =	sst s5  }
0xe: {  	[smem:$0x3FAC] =	sst s6  }
0xf: {  	[smem:$0x3FAD] =	sst s7  }
0x10: {  	[smem:$0x3FAE] =	sst s8  }
0x11: {  	[smem:$0x3FAF] =	sst s9;
	s0 =	simm.s32 @!p0 $0x0  }
0x12: {  	s1 =	sld [smem:$0x3F95];
	s0 =	simm.s32 @p0 $0x1  }
0x13: {  	[smem:$0x3FB0] =	sst s0;
	s0 =	simm.s32 @!p1 $0x0  }
0x14: {  	s2 =	sld [smem:$0x3F94];
	s0 =	simm.s32 @p1 $0x1  }
0x15: {  	[smem:$0x3FB1] =	sst s0;
	s0 =	simm.s32 @!p2 $0x0  }
0x16: {  	s3 =	sld [smem:$0x3FDB];
	s0 =	simm.s32 @p2 $0x1  }
0x17: {  	s4 =	simm.s32 $0x1BF5;
	[smem:$0x3FB3] =	sst s0  }
0x18: {  	s0 =	sld [smem:$0x3F96];
	_ =	swait.ge [sflag:s4], $0x0  }
0x19: {  	s7 =	sld [smem:$0x3F97]  }
0x1a: {  	s8 =	sadd.s32 $0xFFFFE003, lr  }
0x1b: {  	s9 =	sadd.s32 $0xFFFFFEF7, lr;
	s5 =	simm.s32 $0xFFFFFFFF;
	p2 =	slt.u32 s8, $0xFFFFF086  }
0x1c: {  	p1 =	slt.u32 s9, $0xF7A;
	s5 =	simm.s32 @!p2 $0x0  }
0x1d: {  	s5 =	simm.s32 @p1 $0x1;
	p0 =	seq.s32 s7, s2  }
0x1e: {  	s7 =	smul.u32 @!p0 $0xF7A, s2;
	p2 =	seq.s32 @!p0 s5, $0x0  }
0x1f: {  	s9 =	smul.u32 $0xF7A, s1;
	s8 =	simm.s32 @!p0 $0x1BF5;
	p2 =	por !p2, p0  }
0x20: {  	[sflag:s8] =	ssyncset.s32 @!p0 $0xFFFFF086;
	s6 =	sadd.s32 @!p0 s3, s7;
	s7 =	simm.s32 @!p0 $0x108  }
0x21: {  	s3 =	sadd.s32 s3, s9;
	s6 =	sadd.s32 @!p0 $0x88, s6;
	s7 =	simm.s32 @p2 $0x1082  }
0x22: {  	[simem:s7], [sflag:s8] =	dma.local @!p0 [hbm:s6], $0xF7A  }
0x23: {  	s9 =	sor.u32 $0xD0000000, s2;
	s6 =	simm.s32 $0x108;
	_ =	swait.ge @!p0 [sflag:s8], $0x0  }
0x24: {  	s3 =	sadd.s32 $0x88, s3;
	s6 =	simm.s32 @!p1 $0x1082;
	[sflag:s4] =	ssyncset.s32 $0xFFFFF086  }
0x25: {  	[simem:s6], [sflag:s4] =	dma.local [hbm:s3], $0xF7A  }
0x26: {  	[smem:$0x3F97] =	sst s1;
	(tag) =	ssettag s2;
	_ =	strace s9  }
0x27: {  	s1 =	sld [smem:$0x3FA7]  }
0x28: {  	s2 =	sld [smem:$0x3FA8]  }
0x29: {  	s4 =	sld [smem:$0x3FAA]  }
0x2a: {  	p0 =	seq.s32 s5, $0x0;
	s5 =	sld [smem:$0x3FAB]  }
0x2b: {  	s6 =	sld [smem:$0x3FAC]  }
0x2c: {  	s7 =	sld [smem:$0x3FAD]  }
0x2d: {  	s3 =	simm.s32 $0x108;
	s8 =	sld [smem:$0x3FAE]  }
0x2e: {  	s3 =	simm.s32 @!p0 $0x1082;
	s9 =	sld [smem:$0x3FAF]  }
0x2f: {  	lr =	sadd.s32 s0, s3;
	s0 =	sld [smem:$0x3FA6]  }
0x30: {  	s3 =	sld [smem:$0x3FA9]  }
0x31: {  	[smem:$0x3FB2] =	sst s10  }
0x32: {  	s10 =	sld [smem:$0x3FB0];
	_ =	sdelay $0x3  }
0x33: {  	p0 =	seq.s32 s10, $0x1;
	s10 =	sld [smem:$0x3FB2];
	_ =	sdelay $0x3  }
0x34: {  	[smem:$0x3FB2] =	sst s10  }
0x35: {  	s10 =	sld [smem:$0x3FB1];
	_ =	sdelay $0x3  }
0x36: {  	p1 =	seq.s32 s10, $0x1;
	s10 =	sld [smem:$0x3FB2];
	_ =	sdelay $0x3  }
0x37: {  	[smem:$0x3FB2] =	sst s10  }
0x38: {  	s10 =	sld [smem:$0x3FB3]  }
0x39: {  	_ = 	snop;
	(pc) =	sbr.ind lr, $3  }
0x3a: {  	_ = 	snop  }
0x3b: {  	_ = 	snop  }
0x3c: {  	p2 =	seq.s32 s10, $0x1;
	s10 =	sld [smem:$0x3FB2]  }
0x3d: {  	_ =	shalt  }
0x3e: {  	_ =	shalt  }
0x3f: {  	_ =	shalt  }
0x40: {  	_ =	shalt  }
0x41: {  	_ =	shalt  }
0x42: {  	_ =	shalt  }
0x43: {  	_ =	shalt  }
0x44: {  	_ =	shalt  }
0x45: {  	_ =	shalt  }
0x46: {  	_ =	shalt  }
0x47: {  	_ =	shalt  }
0x48: {  	_ =	shalt  }
0x49: {  	_ =	shalt  }
0x4a: {  	_ =	shalt  }
0x4b: {  	_ =	shalt  }
0x4c: {  	_ =	shalt  }
0x4d: {  	_ =	shalt  }
0x4e: {  	_ =	shalt  }
0x4f: {  	_ =	shalt  }
0x50: {  	_ =	shalt  }
0x51: {  	_ =	shalt  }
0x52: {  	_ =	shalt  }
0x53: {  	_ =	shalt  }
0x54: {  	_ =	shalt  }
0x55: {  	_ =	shalt  }
0x56: {  	_ =	shalt  }
0x57: {  	_ =	shalt  }
0x58: {  	_ =	shalt  }
0x59: {  	_ =	shalt  }
0x5a: {  	_ =	shalt  }
0x5b: {  	_ =	shalt  }
0x5c: {  	_ =	shalt  }
0x5d: {  	_ =	shalt  }
0x5e: {  	_ =	shalt  }
0x5f: {  	_ =	shalt  }
0x60: {  	_ =	shalt  }
0x61: {  	_ =	shalt  }
0x62: {  	_ =	shalt  }
0x63: {  	_ =	shalt  }
0x64: {  	_ =	shalt  }
0x65: {  	_ =	shalt  }
0x66: {  	_ =	shalt  }
0x67: {  	_ =	shalt  }
0x68: {  	_ =	shalt  }
0x69: {  	_ =	shalt  }
0x6a: {  	_ =	shalt  }
0x6b: {  	_ =	shalt  }
0x6c: {  	_ =	shalt  }
0x6d: {  	_ =	shalt  }
0x6e: {  	_ =	shalt  }
0x6f: {  	_ =	shalt  }
0x70: {  	_ =	shalt  }
0x71: {  	_ =	shalt  }
0x72: {  	_ =	shalt  }
0x73: {  	_ =	shalt  }
0x74: {  	_ =	shalt  }
0x75: {  	_ =	shalt  }
0x76: {  	_ =	shalt  }
0x77: {  	_ =	shalt  }
0x78: {  	_ =	shalt  }
0x79: {  	_ =	shalt  }
0x7a: {  	_ =	shalt  }
0x7b: {  	_ =	shalt  }
0x7c: {  	_ =	shalt  }
0x7d: {  	_ =	shalt  }
0x7e: {  	_ =	shalt  }
0x7f: {  	_ =	shalt  }
0x80: {  	_ =	shalt  }
0x81: {  	_ =	shalt  }
0x82: {  	_ =	shalt  }
0x83: {  	_ =	shalt  }
0x84: {  	_ =	shalt  }
0x85: {  	_ =	shalt  }
0x86: {  	_ =	shalt  }
0x87: {  	_ =	shalt  }
.Lfunc_end0:
.L_simem_size_0:
called_computation_lowered:
.L_overlay_start_0:
0x88: {  	s2 =	sld [smem:$0x3FD9]  }
0x89: {  	s3 =	sld [smem:$0x3FFE];
	_ =	sdelay $0x1  }
0x8a: {  	s1 =	srdreg.scid  }
0x8b: {  	s0 =	sand.u32 $0x1, s1  }
0x8c: {  	s17 =	sshll.u32 s0, $0xA;
	s2 =	sadd.s32 s3, s2  }
0x8d: {  	s2 =	sadd.s32 s2, s17  }
0x8e: {  	[smem:$0x3FBE] =	sst s2  }
0x8f: {  	_ = 	snop  }
0x90: {  	s2 =	sld [smem:$0x3FC9]  }
0x91: {  	s18 =	sld [smem:$0x3FD0];
	(tm) =	ssettm $0x1  }
0x92: {  	s4 =	sld [smem:$0x3FFB];
	_ =	sdelay $0x3  }
0x93: {  	_ =	strace s4  }
0x94: {  	s4 =	sld [smem:$0x3FFC];
	_ =	sdelay $0x3  }
0x95: {  	_ =	strace s4  }
0x96: {  	s4 =	sld [smem:$0x3FFD];
	_ =	sdelay $0x3  }
0x97: {  	_ =	strace s4  }
0x98: {  	_ =	strace $0x8FFFFFFF  }
0x99: {  	s19 =	sld [smem:$0x3FDB];
	_ =	sdelay $0x1  }
0x9a: {  	s5 =	simm.s32 $_scs_section_size  }
0x9b: {  	s6 =	simm.s32 $_size__tile_overlayer_lowered;
	s7 =	simm.s32 $_tile_overlayer_lowered  }
0x9c: {  	s22 =	simm.s32 $0x1BFF;
	s21 =	sshll.u32 s7, $0x1;
	s4 =	sadd.s32 s5, s19  }
0x9d: {  	s8 =	simm.s32 $0x0;
	s20 =	sshll.u32 s6, $0x1;
	s6 =	sadd.s32 s21, s4  }
0x9e: {  	[timem:s8], [sflag:s22] =	dma.local [hbm:s6], s20  }
0x9f: {  	_ =	swait.ge [sflag:s22], s20  }
0xa0: {  	s5 =	ssub.s32 $0x0, s20;
	[sflag:s22] =	ssyncset.done $0x0  }
0xa1: {  	[sflag:s22] =	ssyncadd.s32 s5;
	_ =	sdelay $0x1  }
0xa2: {  	s23 =	simm.s32 $0x1B8B  }
0xa3: {  	_ =	swait.ge [sflag:s23], $0x1  }
0xa4: {  	[sflag:s23] =	ssyncset.done $0x0  }
0xa5: {  	s25 =	simm.s32 $0x1B8E;
	s24 =	sld [smem:$0x3FFE];
	[sflag:s23] =	ssyncadd.s32 $0xFFFFFFFF  }
0xa6: {  	s26 =	simm.s32 $execute0_lowered;
	[smem:$0x3FD2] =	sst s25  }
0xa7: {  	s6 =	sshll.u32 s26, $0x1;
	_ =	strace $0x80000046;
	[dreg:$0x1] =	wrdreg $0xFFFFFFFF  }
0xa8: {  	s28 =	simm.s32 $_size_execute0_lowered;
	s4 =	sadd.s32 s4, s6;
	[dreg:$0x0] =	wrdreg $0x0  }
0xa9: {  	s6 =	sshll.u32 s28, $0x1;
	[dreg:$0x2] =	wrdreg s4  }
0xaa: {  	[dreg:$0x3] =	wrdreg s6  }
0xab: {  	[dreg:$0x4] =	wrdreg $0xC0  }
0xac: {  	_ =	task [dreg:s8], $0x5FFFF  }
0xad: {  	[dreg:$0x1] =	wrdreg $0xFFFFFFFF  }
0xae: {  	[dreg:$0x0] =	wrdreg $0x60  }
0xaf: {  	[dreg:$0x2] =	wrdreg s2  }
0xb0: {  	[dreg:$0x3] =	wrdreg s24  }
0xb1: {  	[dreg:$0x4] =	wrdreg s18  }
0xb2: {  	[dreg:$0x5] =	wrdreg $0x68000  }
0xb3: {  	[dreg:$0x6] =	wrdreg $0x9  }
0xb4: {  	_ =	task.clear_ibuf [dreg:s8], $0x7FFFF;
	_ =	strace $0x90000046  }
0xb5: {  	s29 =	simm.s32 $0x9;
	_ =	strace $0x80000048  }
0xb6: {  	_ =	swait.ge [sflag:s29], $0x1  }
0xb7: {  	[sflag:s29] =	ssyncadd.s32 $0xFFFFFFFF  }
0xb8: {  	_ =	strace $0x90000048  }
0xb9: {  	_ =	sfence  }
0xba: {  	s30 =	sld [smem:$0x0];
	_ =	sdelay $0x2  }
0xbb: {  	s31 =	sshll.u32 s1, $0xD;
	s1 =	sshrl.u32 s1, $0x2  }
0xbc: {  	s3 =	sand.u32 $0x4000, s31;
	s1 =	sadd.s32 s1, s30  }
0xbd: {  	s0 =	sor.u32 s3, s0;
	s1 =	sshll.u32 s1, $0x11  }
0xbe: {  	s0 =	sor.u32 s1, s0  }
0xbf: {  	s0 =	sadd.s32 $0x8F2B, s0  }
0xc0: {  	[sflag:s0] =	ssyncadd.remote.s32 $0x1  }
0xc1: {  	_ =	sfence.sel $0xFFFF  }
0xc2: {  	[dreg:$0x0] =	wrdreg $0xFFFFFFFF;
	(pc) =	sbr.abs _section_cstart, $3  }
0xc3: {  	[dreg:$0x1] =	wrdreg $0xFFFFFFFF  }
0xc4: {  	_ =	task.clear_ibuf [dreg:s8], $0x2FFFF;
	_ =	strace $0x9FFFFFFF  }
0xc5: {  	(tm) =	ssettm $0x7FFFFFFF  }
tec
execute0_lowered:
.L_overlay_start_1:
0x0: {  	(tag) =	ssettag $0x1  }
0x1: {  	s0 =	srdreg.scid  }
0x2: {  	s6 =	rddreg [dreg:$0x0];
	s7 =	sand.u32 $0x1, s0  }
0x3: {  	s0 =	stileid.u32;
	s9 =	smul.u32 $0x140000, s7  }
0x4: {  	s4 =	rddreg [dreg:$0x1];
	s10 =	smul.u32 $0x14000, s0  }
0x5: {  	s5 =	rddreg [dreg:$0x2];
	s12 =	smul.u32 $0x50000, s0  }
0x6: {  	s2 =	rddreg [dreg:$0x3];
	s3 =	simm.s32 $0x0;
	s26 =	smul.u32 $0x280000, s7  }
0x7: {  	[smem:$0x7FF] =	sst s3;
	s28 =	smul.u32 $0x28000, s0  }
0x8: {  	s1 =	sshll.u32 s7, $0x4;
	s11 =	ssub.s32 $0x2, s7;
	s14 =	smul.u32 $0x500, s7  }
0x9: {  	s29 =	sshll.u32 s0, $0x6;
	s31 =	smul.u32 $0x50, s0;
	s8 =	sor.u32 s0, s1  }
0xa: {  	s1 =	rddreg [dreg:$0x4];
	_ =	strace $0x80000047;
	s13 =	sshrl.u32 s11, $0x1  }
0xb: {  	s8 =	smul.u32 $0x500, s8;
	s9 =	sadd.s32 s10, s9;
	s11 =	ssub.s32 s11, s13  }
0xc: {  	s12 =	sshrl.u32 s12, $0x2;
	s30 =	sadd.s32 s26, s6;
	s6 =	sor.u32 $0x1C01, s29  }
0xd: {  	s10 =	sadd.s32 s31, s14;
	s13 =	simm.s32 $0x0;
	s9 =	sshrl.u32 s9, $0x3  }
0xe: {  	s12 =	sadd.s32 s12, s2;
	s8 =	sadd.s32 s8, s4;
	s4 =	sadd.s32 $0xBC00, s4  }
0xf: {  	s5 =	sadd.s32 s5, s9;
	s9 =	sadd.s32 s28, s30;
	s7 =	sadd.s32 $0x1C00, s8  }
0x10: {  	s8 =	smax.u32 s11, $0x1;
	s11 =	sshrl.u32 s12, $0x3;
	s12 =	simm.s32 $0x1  }
.LBB2_1:
0x11: {  	[spmem:s11], [sflag:s6] =	dma.local [hbm:s4], $0x2800  }
0x12: {  	_ =	swait.ge [sflag:s12], $0x2800  }
0x13: {  	[sflag:s12] =	ssyncset.done $0x0  }
0x14: {  	[sflag:s12] =	ssyncadd.s32 $0xFFFFD800  }
0x15: {  	[tilespmem:s3], [sflag:$0x1] =	stream.linear.gather [hbm4b:s7+s3], $0x2800, $0x38;
	[tilespmem:$0x1A800] =	vst v63  }
0x16: {  	s14 =	sadd.s32 $0x0, s10;
	_ =	swait.ge [sflag:s12], $0x2800  }
0x17: {  	p1 =	sgt.u32 s14, $0x9C3;
	[sflag:s12] =	ssyncset.done $0x0  }
0x18: {  	p0 =	por p1, p1;
	s14 =	simm.s32 @!p1 $0x0;
	[sflag:s12] =	ssyncadd.s32 $0xFFFFD800  }
0x19: {  	s15 =	simm.s32 @!p1 $0x2800;
	s17 =	simm.s32 @!p0 $0x2;
	[bflag:$0x0] =	sbarrier.arrive $0xFFFF  }
0x1a: {  	[tilespmem:s15], [sflag:$0x2] =	stream.linear.gather @!p0 [hbm4b:s9+s14], $0x4000, $0x38;
	[tilespmem:$0x1A800] =	vst v63  }
0x1b: {  	s31 =	sadd.s32 $0x1, s10;
	_ =	swait.ge @!p0 [sflag:s17], $0x4000  }
0x1c: {  	s16 =	simm.s32 $0x2;
	p1 =	sgt.u32 s31, $0x9C3;
	[sflag:s17] =	ssyncset.done @!p0 $0x0  }
0x1d: {  	s14 =	simm.s32 @!p0 $0x80;
	[sflag:s17] =	ssyncadd.s32 @!p0 $0xFFFFC000;
	s17 =	simm.s32 @!p0 $0x1  }
0x1e: {  	[spmem:s2] =	stream.indirect.scatter.add.f32 @!p0 [tilespmem:s15], [sflag:$0x1], $0x80, s3, s14, $0xb8;
	[tilespmem:$0x1A800] =	vst v63  }
0x1f: {  	s15 =	sadd.s32 $0x800, s9;
	s14 =	simm.s32 $0x80;
	_ =	swait.ge @!p0 [sflag:s17], $0x4000  }
.LBB2_2:
0x20: {  	s18 =	simm.s32 @!p1 $0x0  }
0x21: {  	s19 =	simm.s32 @!p1 $0x2800;
	[sflag:s17] =	ssyncset.done @!p0 $0x0;
	s20 =	smov.u32 s16  }
0x22: {  	p2 =	por p0, p0;
	p0 =	por p1, p1;
	s16 =	sadd.s32 $0x1, s16  }
0x23: {  	s21 =	simm.s32 @!p0 $0x2;
	[sflag:s17] =	ssyncadd.s32 @!p2 $0xFFFFC000;
	p2 =	sne.s32 s16, $0x50  }
0x24: {  	[tilespmem:s19], [sflag:$0x2] =	stream.linear.gather @!p0 [hbm4b:s15+s18], $0x4000, $0x38;
	[tilespmem:$0x1A800] =	vst v63  }
.Ltmp0:
0x25: {  	_ =	swait.ge @!p0 [sflag:s21], $0x4000;
	(pc) =	sbr.rel @p2 .LBB2_2-.Ltmp0, $4  }
0x26: {  	s17 =	simm.s32 @!p0 $0x1;
	s15 =	sadd.s32 $0x800, s15;
	[sflag:s21] =	ssyncset.done @!p0 $0x0  }
0x27: {  	s18 =	sadd.s32 s20, s10;
	s20 =	simm.s32 @!p0 $0x80;
	[sflag:s21] =	ssyncadd.s32 @!p0 $0xFFFFC000  }
0x28: {  	[spmem:s2] =	stream.indirect.scatter.add.f32 @!p0 [tilespmem:s19], [sflag:$0x1], $0x80, s14, s20, $0xb8;
	[tilespmem:$0x1A800] =	vst v63  }
0x29: {  	p1 =	sgt.u32 s18, $0x9C3;
	s14 =	sadd.s32 $0x80, s14;
	_ =	swait.ge @!p0 [sflag:s17], $0x4000  }
0x2a: {  	s16 =	simm.s32 @!p1 $0x0  }
0x2b: {  	[sflag:s17] =	ssyncset.done @!p0 $0x0;
	p0 =	por p0, p0;
	p2 =	por p1, p1  }
0x2c: {  	s18 =	simm.s32 @!p1 $0x2800;
	s19 =	simm.s32 @!p2 $0x2;
	[sflag:s17] =	ssyncadd.s32 @!p0 $0xFFFFC000  }
0x2d: {  	[tilespmem:s18], [sflag:$0x2] =	stream.linear.gather @!p2 [hbm4b:s15+s16], $0x4000, $0x38;
	[tilespmem:$0x1A800] =	vst v63  }
0x2e: {  	_ =	swait.ge @!p2 [sflag:s19], $0x4000  }
0x2f: {  	[sflag:s19] =	ssyncset.done @!p2 $0x0  }
0x30: {  	s15 =	simm.s32 @!p2 $0x1;
	s16 =	simm.s32 @!p2 $0x80;
	[sflag:s19] =	ssyncadd.s32 @!p2 $0xFFFFC000  }
0x31: {  	[spmem:s2] =	stream.indirect.scatter.add.f32 @!p2 [tilespmem:s18], [sflag:$0x1], $0x80, s14, s16, $0xb8;
	[tilespmem:$0x1A800] =	vst v63  }
0x32: {  	_ =	swait.ge @!p2 [sflag:s15], $0x4000  }
0x33: {  	s13 =	sadd.s32 $0x1, s13;
	p0 =	por p2, p2;
	[sflag:s15] =	ssyncset.done @!p2 $0x0  }
0x34: {  	[sflag:s15] =	ssyncadd.s32 @!p0 $0xFFFFC000;
	p0 =	sne.s32 s13, s8  }
.Ltmp1:
0x35: {  	[bflag:$0x0] =	sbarrier.arrive $0xFFFF;
	(pc) =	sbr.rel @p0 .LBB2_1-.Ltmp1, $4  }
0x36: {  	[hbm:s5], [sflag:s6] =	dma.local [spmem:s11], $0x2800  }
0x37: {  	_ =	swait.ge [sflag:s12], $0x2800  }
0x38: {  	[sflag:s12] =	ssyncset.done $0x0  }
0x39: {  	[sflag:s12] =	ssyncadd.s32 $0xFFFFD800  }
0x3a: {  	_ =	sfence.sel $0x180000  }
0x3b: {  	[bflag:$0x0] =	sbarrier.arrive $0xFFFF  }
0x3c: {  	p0 =	sne.s32 s0, $0x0;
	_ =	strace $0x90000047  }
0x3d: {  	s0 =	sadd.s32 @!p0 $0x100000, s1;
	[bflag:$0x2] =	sbarrier.arrive $0xFFFF  }
0x3e: {  	[sflag:s0] =	ssyncadd.tile.s32 @!p0 $0x1;
	_ =	shalt  }
.Lfunc_end2:
_tile_overlayer_lowered:
.L_overlay_start_2:
0x3f: {  	(tag) =	ssettag $0x2  }
0x40: {  	s0 =	rddreg [dreg:$0x0];
	s2 =	stileid.u32  }
0x41: {  	s1 =	rddreg [dreg:$0x1];
	p0 =	sne.s32 s2, $0x0  }
0x42: {  	s3 =	rddreg [dreg:$0x2];
	[bflag:$0x3] =	sbarrier.arrive $0xFFFF;
	s2 =	simm.s32 @!p0 $0x1C01  }
0x43: {  	[timem:s3], [sflag:s2] =	dma.local @!p0 [hbm:s0], s1  }
0x44: {  	s0 =	simm.s32 @!p0 $0x1  }
0x45: {  	_ =	swait.ge @!p0 [sflag:s0], s1  }
0x46: {  	s1 =	ssub.s32 @!p0 $0x0, s1;
	[sflag:s0] =	ssyncset.done @!p0 $0x0  }
0x47: {  	[sflag:s0] =	ssyncadd.s32 @!p0 s1  }
0x48: {  	[bflag:$0x3] =	sbarrier.arrive $0xFFFF  }
0x49: {  	_ =	shalt  }

// kernel: kernel.9.cloned.1.call-start
scs
__scs_entry_jumppad:
0x0: {  	(pc) =	sbr.rel $0x88, $3  }
0x1: {  	(tag) =	ssettag $0x0;
	lr =	simm.s32 $0x1  }
0x2: {  	[smem:$0x3F97] =	sst lr;
	_ =	strace $0xD0000000  }
0x3: {  	_ = 	snop  }
0x4: {  	_ = 	snop  }
0x5: {  	_ = 	snop  }
0x6: {  	_ = 	snop  }
0x7: {  	_ = 	snop  }
__scs_overlays_trampoline_lowered:
0x8: {  	[smem:$0x3FA6] =	sst s0  }
0x9: {  	[smem:$0x3FA7] =	sst s1  }
0xa: {  	[smem:$0x3FA8] =	sst s2  }
0xb: {  	[smem:$0x3FA9] =	sst s3  }
0xc: {  	[smem:$0x3FAA] =	sst s4  }
0xd: {  	[smem:$0x3FAB] =	sst s5  }
0xe: {  	[smem:$0x3FAC] =	sst s6  }
0xf: {  	[smem:$0x3FAD] =	sst s7  }
0x10: {  	[smem:$0x3FAE] =	sst s8  }
0x11: {  	[smem:$0x3FAF] =	sst s9;
	s0 =	simm.s32 @!p0 $0x0  }
0x12: {  	s1 =	sld [smem:$0x3F95];
	s0 =	simm.s32 @p0 $0x1  }
0x13: {  	[smem:$0x3FB0] =	sst s0;
	s0 =	simm.s32 @!p1 $0x0  }
0x14: {  	s2 =	sld [smem:$0x3F94];
	s0 =	simm.s32 @p1 $0x1  }
0x15: {  	[smem:$0x3FB1] =	sst s0;
	s0 =	simm.s32 @!p2 $0x0  }
0x16: {  	s3 =	sld [smem:$0x3FDB];
	s0 =	simm.s32 @p2 $0x1  }
0x17: {  	s4 =	simm.s32 $0x1BF5;
	[smem:$0x3FB3] =	sst s0  }
0x18: {  	s0 =	sld [smem:$0x3F96];
	_ =	swait.ge [sflag:s4], $0x0  }
0x19: {  	s7 =	sld [smem:$0x3F97]  }
0x1a: {  	s8 =	sadd.s32 $0xFFFFE003, lr  }
0x1b: {  	s9 =	sadd.s32 $0xFFFFFEF7, lr;
	s5 =	simm.s32 $0xFFFFFFFF;
	p2 =	slt.u32 s8, $0xFFFFF086  }
0x1c: {  	p1 =	slt.u32 s9, $0xF7A;
	s5 =	simm.s32 @!p2 $0x0  }
0x1d: {  	s5 =	simm.s32 @p1 $0x1;
	p0 =	seq.s32 s7, s2  }
0x1e: {  	s7 =	smul.u32 @!p0 $0xF7A, s2;
	p2 =	seq.s32 @!p0 s5, $0x0  }
0x1f: {  	s9 =	smul.u32 $0xF7A, s1;
	s8 =	simm.s32 @!p0 $0x1BF5;
	p2 =	por !p2, p0  }
0x20: {  	[sflag:s8] =	ssyncset.s32 @!p0 $0xFFFFF086;
	s6 =	sadd.s32 @!p0 s3, s7;
	s7 =	simm.s32 @!p0 $0x108  }
0x21: {  	s3 =	sadd.s32 s3, s9;
	s6 =	sadd.s32 @!p0 $0x88, s6;
	s7 =	simm.s32 @p2 $0x1082  }
0x22: {  	[simem:s7], [sflag:s8] =	dma.local @!p0 [hbm:s6], $0xF7A  }
0x23: {  	s9 =	sor.u32 $0xD0000000, s2;
	s6 =	simm.s32 $0x108;
	_ =	swait.ge @!p0 [sflag:s8], $0x0  }
0x24: {  	s3 =	sadd.s32 $0x88, s3;
	s6 =	simm.s32 @!p1 $0x1082;
	[sflag:s4] =	ssyncset.s32 $0xFFFFF086  }
0x25: {  	[simem:s6], [sflag:s4] =	dma.local [hbm:s3], $0xF7A  }
0x26: {  	[smem:$0x3F97] =	sst s1;
	(tag) =	ssettag s2;
	_ =	strace s9  }
0x27: {  	s1 =	sld [smem:$0x3FA7]  }
0x28: {  	s2 =	sld [smem:$0x3FA8]  }
0x29: {  	s4 =	sld [smem:$0x3FAA]  }
0x2a: {  	p0 =	seq.s32 s5, $0x0;
	s5 =	sld [smem:$0x3FAB]  }
0x2b: {  	s6 =	sld [smem:$0x3FAC]  }
0x2c: {  	s7 =	sld [smem:$0x3FAD]  }
0x2d: {  	s3 =	simm.s32 $0x108;
	s8 =	sld [smem:$0x3FAE]  }
0x2e: {  	s3 =	simm.s32 @!p0 $0x1082;
	s9 =	sld [smem:$0x3FAF]  }
0x2f: {  	lr =	sadd.s32 s0, s3;
	s0 =	sld [smem:$0x3FA6]  }
0x30: {  	s3 =	sld [smem:$0x3FA9]  }
0x31: {  	[smem:$0x3FB2] =	sst s10  }
0x32: {  	s10 =	sld [smem:$0x3FB0];
	_ =	sdelay $0x3  }
0x33: {  	p0 =	seq.s32 s10, $0x1;
	s10 =	sld [smem:$0x3FB2];
	_ =	sdelay $0x3  }
0x34: {  	[smem:$0x3FB2] =	sst s10  }
0x35: {  	s10 =	sld [smem:$0x3FB1];
	_ =	sdelay $0x3  }
0x36: {  	p1 =	seq.s32 s10, $0x1;
	s10 =	sld [smem:$0x3FB2];
	_ =	sdelay $0x3  }
0x37: {  	[smem:$0x3FB2] =	sst s10  }
0x38: {  	s10 =	sld [smem:$0x3FB3]  }
0x39: {  	_ = 	snop;
	(pc) =	sbr.ind lr, $3  }
0x3a: {  	_ = 	snop  }
0x3b: {  	_ = 	snop  }
0x3c: {  	p2 =	seq.s32 s10, $0x1;
	s10 =	sld [smem:$0x3FB2]  }
0x3d: {  	_ =	shalt  }
0x3e: {  	_ =	shalt  }
0x3f: {  	_ =	shalt  }
0x40: {  	_ =	shalt  }
0x41: {  	_ =	shalt  }
0x42: {  	_ =	shalt  }
0x43: {  	_ =	shalt  }
0x44: {  	_ =	shalt  }
0x45: {  	_ =	shalt  }
0x46: {  	_ =	shalt  }
0x47: {  	_ =	shalt  }
0x48: {  	_ =	shalt  }
0x49: {  	_ =	shalt  }
0x4a: {  	_ =	shalt  }
0x4b: {  	_ =	shalt  }
0x4c: {  	_ =	shalt  }
0x4d: {  	_ =	shalt  }
0x4e: {  	_ =	shalt  }
0x4f: {  	_ =	shalt  }
0x50: {  	_ =	shalt  }
0x51: {  	_ =	shalt  }
0x52: {  	_ =	shalt  }
0x53: {  	_ =	shalt  }
0x54: {  	_ =	shalt  }
0x55: {  	_ =	shalt  }
0x56: {  	_ =	shalt  }
0x57: {  	_ =	shalt  }
0x58: {  	_ =	shalt  }
0x59: {  	_ =	shalt  }
0x5a: {  	_ =	shalt  }
0x5b: {  	_ =	shalt  }
0x5c: {  	_ =	shalt  }
0x5d: {  	_ =	shalt  }
0x5e: {  	_ =	shalt  }
0x5f: {  	_ =	shalt  }
0x60: {  	_ =	shalt  }
0x61: {  	_ =	shalt  }
0x62: {  	_ =	shalt  }
0x63: {  	_ =	shalt  }
0x64: {  	_ =	shalt  }
0x65: {  	_ =	shalt  }
0x66: {  	_ =	shalt  }
0x67: {  	_ =	shalt  }
0x68: {  	_ =	shalt  }
0x69: {  	_ =	shalt  }
0x6a: {  	_ =	shalt  }
0x6b: {  	_ =	shalt  }
0x6c: {  	_ =	shalt  }
0x6d: {  	_ =	shalt  }
0x6e: {  	_ =	shalt  }
0x6f: {  	_ =	shalt  }
0x70: {  	_ =	shalt  }
0x71: {  	_ =	shalt  }
0x72: {  	_ =	shalt  }
0x73: {  	_ =	shalt  }
0x74: {  	_ =	shalt  }
0x75: {  	_ =	shalt  }
0x76: {  	_ =	shalt  }
0x77: {  	_ =	shalt  }
0x78: {  	_ =	shalt  }
0x79: {  	_ =	shalt  }
0x7a: {  	_ =	shalt  }
0x7b: {  	_ =	shalt  }
0x7c: {  	_ =	shalt  }
0x7d: {  	_ =	shalt  }
0x7e: {  	_ =	shalt  }
0x7f: {  	_ =	shalt  }
0x80: {  	_ =	shalt  }
0x81: {  	_ =	shalt  }
0x82: {  	_ =	shalt  }
0x83: {  	_ =	shalt  }
0x84: {  	_ =	shalt  }
0x85: {  	_ =	shalt  }
0x86: {  	_ =	shalt  }
0x87: {  	_ =	shalt  }
.Lfunc_end0:
.L_simem_size_0:
called_computation.1_lowered:
.L_overlay_start_0:
0x88: {  	s2 =	sld [smem:$0x3FD9]  }
0x89: {  	s3 =	sld [smem:$0x3FFE];
	_ =	sdelay $0x1  }
0x8a: {  	s1 =	srdreg.scid  }
0x8b: {  	s0 =	sand.u32 $0x1, s1  }
0x8c: {  	s17 =	sshll.u32 s0, $0xA;
	s2 =	sadd.s32 s3, s2  }
0x8d: {  	s2 =	sadd.s32 s2, s17  }
0x8e: {  	[smem:$0x3FBE] =	sst s2  }
0x8f: {  	_ = 	snop  }
0x90: {  	s2 =	sld [smem:$0x3FD0];
	(tm) =	ssettm $0x1  }
0x91: {  	s18 =	sld [smem:$0x3FFB];
	_ =	sdelay $0x3  }
0x92: {  	_ =	strace s18  }
0x93: {  	s3 =	sld [smem:$0x3FFC];
	_ =	sdelay $0x3  }
0x94: {  	_ =	strace s3  }
0x95: {  	s3 =	sld [smem:$0x3FFD];
	_ =	sdelay $0x3  }
0x96: {  	_ =	strace s3  }
0x97: {  	_ =	strace $0x8FFFFFFF  }
0x98: {  	s19 =	sld [smem:$0x3FDB];
	_ =	sdelay $0x1  }
0x99: {  	s4 =	simm.s32 $_scs_section_size  }
0x9a: {  	s5 =	simm.s32 $_size__tile_overlayer_lowered;
	s6 =	simm.s32 $_tile_overlayer_lowered  }
0x9b: {  	s22 =	simm.s32 $0x1BFF;
	s21 =	sshll.u32 s6, $0x1;
	s3 =	sadd.s32 s4, s19  }
0x9c: {  	s7 =	simm.s32 $0x0;
	s20 =	sshll.u32 s5, $0x1;
	s5 =	sadd.s32 s21, s3  }
0x9d: {  	[timem:s7], [sflag:s22] =	dma.local [hbm:s5], s20  }
0x9e: {  	_ =	swait.ge [sflag:s22], s20  }
0x9f: {  	s4 =	ssub.s32 $0x0, s20;
	[sflag:s22] =	ssyncset.done $0x0  }
0xa0: {  	[sflag:s22] =	ssyncadd.s32 s4;
	_ =	sdelay $0x1  }
0xa1: {  	s23 =	simm.s32 $0x1B8B  }
0xa2: {  	_ =	swait.ge [sflag:s23], $0x1  }
0xa3: {  	[sflag:s23] =	ssyncset.done $0x0  }
0xa4: {  	s25 =	simm.s32 $0x1B8E;
	s24 =	sld [smem:$0x3FFE];
	[sflag:s23] =	ssyncadd.s32 $0xFFFFFFFF  }
0xa5: {  	s26 =	simm.s32 $execute0_lowered;
	[smem:$0x3FD2] =	sst s25  }
0xa6: {  	s5 =	sshll.u32 s26, $0x1;
	_ =	strace $0x80000049;
	[dreg:$0x1] =	wrdreg $0xFFFFFFFF  }
0xa7: {  	s28 =	simm.s32 $_size_execute0_lowered;
	s3 =	sadd.s32 s3, s5;
	[dreg:$0x0] =	wrdreg $0x0  }
0xa8: {  	s5 =	sshll.u32 s28, $0x1;
	[dreg:$0x2] =	wrdreg s3  }
0xa9: {  	[dreg:$0x3] =	wrdreg s5  }
0xaa: {  	[dreg:$0x4] =	wrdreg $0xC0  }
0xab: {  	_ =	task [dreg:s7], $0x5FFFF  }
0xac: {  	[dreg:$0x1] =	wrdreg $0xFFFFFFFF  }
0xad: {  	[dreg:$0x0] =	wrdreg $0x60  }
0xae: {  	[dreg:$0x2] =	wrdreg s24  }
0xaf: {  	[dreg:$0x3] =	wrdreg s2  }
0xb0: {  	[dreg:$0x4] =	wrdreg $0x9  }
0xb1: {  	_ =	task.clear_ibuf [dreg:s7], $0x5FFFF;
	_ =	strace $0x90000049  }
0xb2: {  	s29 =	simm.s32 $0x9;
	_ =	strace $0x8000004B  }
0xb3: {  	_ =	swait.ge [sflag:s29], $0x1  }
0xb4: {  	[sflag:s29] =	ssyncadd.s32 $0xFFFFFFFF  }
0xb5: {  	_ =	strace $0x9000004B  }
0xb6: {  	_ =	sfence  }
0xb7: {  	s30 =	sld [smem:$0x0];
	_ =	sdelay $0x2  }
0xb8: {  	s31 =	sshll.u32 s1, $0xD;
	s1 =	sshrl.u32 s1, $0x2  }
0xb9: {  	s3 =	sand.u32 $0x4000, s31;
	s1 =	sadd.s32 s1, s30  }
0xba: {  	s0 =	sor.u32 s3, s0;
	s1 =	sshll.u32 s1, $0x11  }
0xbb: {  	s0 =	sor.u32 s1, s0  }
0xbc: {  	s0 =	sadd.s32 $0x8F2B, s0  }
0xbd: {  	[sflag:s0] =	ssyncadd.remote.s32 $0x1  }
0xbe: {  	_ =	sfence.sel $0xFFFF  }
0xbf: {  	[dreg:$0x0] =	wrdreg $0xFFFFFFFF;
	(pc) =	sbr.abs _section_cstart, $3  }
0xc0: {  	[dreg:$0x1] =	wrdreg $0xFFFFFFFF  }
0xc1: {  	_ =	task.clear_ibuf [dreg:s7], $0x2FFFF;
	_ =	strace $0x9FFFFFFF  }
0xc2: {  	(tm) =	ssettm $0x7FFFFFFF  }
0xc3: {  	_ =	shalt  }
tec
execute0_lowered:
.L_overlay_start_1:
0x0: {  	(tag) =	ssettag $0x1  }
0x1: {  	s6 =	rddreg [dreg:$0x0]  }
0x2: {  	s1 =	rddreg [dreg:$0x1]  }
0x3: {  	s2 =	srdreg.scid;
	s0 =	rddreg [dreg:$0x2];
	s3 =	simm.s32 $0x0  }
0x4: {  	s11 =	simm.s32 $0x6800;
	s12 =	simm.s32 $0x1;
	s13 =	simm.s32 $0x2800  }
0x5: {  	s14 =	simm.s32 $0x3;
	s15 =	simm.s32 $0x0;
	s4 =	sand.u32 $0x1, s2  }
0x6: {  	s2 =	stileid.u32;
	[smem:$0x7FF] =	sst s3;
	s5 =	sshll.u32 s4, $0x4  }
.Ltmp0:
0x7: {  	s9 =	ssub.s32 $0x2, s4;
	s7 =	sor.u32 s2, s5;
	(pc) =	sbr.rel .LBB2_1-.Ltmp0, $4  }
0x8: {  	_ =	strace $0x8000004A;
	s10 =	sshrl.u32 s9, $0x1;
	s8 =	smul.u32 $0x500, s7  }
0x9: {  	s4 =	sadd.s32 $0xE400, s6;
	s5 =	sadd.s32 $0x4F0400, s6;
	s9 =	ssub.s32 s9, s10  }
0xa: {  	s10 =	simm.s32 $0x80;
	s8 =	sadd.s32 s8, s6;
	s6 =	smul.u32 $0x50, s7  }
0xb: {  	s7 =	sadd.s32 $0x1C00, s8;
	s8 =	smax.u32 s9, $0x1;
	s9 =	simm.s32 $0x2  }
.LBB2_7:
0xc: {  	s15 =	sadd.s32 $0x1, s15  }
0xd: {  	p0 =	sne.s32 s15, s8  }
.Ltmp1:
0xe: {  	_ = 	snop;
	(pc) =	sbr.rel @!p0 .LBB2_8-.Ltmp1, $1  }
0xf: {  	_ =	sdelay $0x3  }
.LBB2_1:
.Ltmp2:
0x10: {  	(pc) =	sbr.rel .LBB2_2-.Ltmp2, $4  }
0x11: {  	[tilespmem:s3], [sflag:$0x2] =	stream.linear.gather [hbm4b:s7+s3], $0x2800, $0x38;
	[tilespmem:$0xA800] =	vst v63  }
0x12: {  	_ =	swait.ge [sflag:s9], $0x2800  }
0x13: {  	[sflag:s9] =	ssyncset.done $0x0  }
0x14: {  	s16 =	simm.s32 $0x0;
	[sflag:s9] =	ssyncadd.s32 $0xFFFFD800  }
.LBB2_6:
0x15: {  	s16 =	sadd.s32 $0x1, s16  }
0x16: {  	p0 =	sne.s32 s16, $0x50  }
.Ltmp3:
0x17: {  	_ = 	snop;
	(pc) =	sbr.rel @!p0 .LBB2_7-.Ltmp3, $1  }
0x18: {  	_ =	sdelay $0x3  }
.LBB2_2:
0x19: {  	s17 =	sadd.s32 s6, s16  }
0x1a: {  	p0 =	sgt.u32 s17, $0x9C3  }
.Ltmp4:
0x1b: {  	_ = 	snop;
	(pc) =	sbr.rel @p0 .LBB2_6-.Ltmp4, $1  }
0x1c: {  	_ =	sdelay $0x3  }
0x1d: {  	s18 =	sshll.u32 s16, $0x7  }
0x1e: {  	s18 =	sand.u32 $0x3FFFFF80, s18  }
0x1f: {  	[tilespmem:s11], [sflag:$0x1] =	stream.indirect.gather [hbm4b:s5+s10], $0x80, s18, s10, $0xb8;
	[tilespmem:$0xA800] =	vst v63  }
0x20: {  	_ =	swait.ge [sflag:s12], $0x4000  }
0x21: {  	s17 =	sshll.u32 s17, $0xB;
	[sflag:s12] =	ssyncset.done $0x0  }
0x22: {  	s19 =	simm.s32 $0x0;
	s31 =	sadd.s32 s4, s17;
	[sflag:s12] =	ssyncadd.s32 $0xFFFFC000  }
0x23: {  	[tilespmem:s13], [sflag:$0x3] =	stream.linear.gather [hbm4b:s31+s19], $0x4000, $0x38;
	[tilespmem:$0xA800] =	vst v63  }
0x24: {  	_ =	swait.ge [sflag:s14], $0x4000  }
0x25: {  	[sflag:s14] =	ssyncset.done $0x0  }
0x26: {  	s18 =	simm.s32 $0x0;
	[sflag:s14] =	ssyncadd.s32 $0xFFFFC000  }
0x27: {  	v7 =	vld [tilespmem:s18+$0x6800]  }
0x28: {  	v11 =	vld [tilespmem:s18+$0x6810]  }
0x29: {  	v5 =	vld [tilespmem:s18+$0x6820]  }
0x2a: {  	v4 =	vld [tilespmem:s18+$0x6830]  }
0x2b: {  	v3 =	vld [tilespmem:s18+$0x6840]  }
0x2c: {  	v2 =	vld [tilespmem:s18+$0x6850]  }
0x2d: {  	v1 =	vld [tilespmem:s18+$0x6860]  }
0x2e: {  	v0 =	vld [tilespmem:s18+$0x6870]  }
0x2f: {  	v12 =	vld [tilespmem:s18+$0x2800]  }
0x30: {  	v13 =	vld [tilespmem:s18+$0x2810]  }
0x31: {  	v10 =	vld [tilespmem:s18+$0x2820]  }
0x32: {  	v9 =	vld [tilespmem:s18+$0x2830]  }
0x33: {  	v8 =	vld [tilespmem:s18+$0x2840]  }
0x34: {  	v6 =	vld [tilespmem:s18+$0x2850];
	v12 =	vadd.f32 v7, v12  }
0x35: {  	s19 =	simm.s32 $0x200;
	v11 =	vadd.f32 v11, v13;
	v7 =	vld [tilespmem:s18+$0x2860]  }
.LBB2_4:
0x36: {  	s20 =	sshra.s32 s19, $0x2;
	p0 =	sne.s32 s19, $0xFE00;
	[tilespmem:s18+$0x2800] =	vst v12;
	v5 =	vadd.f32 v5, v10;
	v10 =	vld [tilespmem:s18+$0x2870]  }
0x37: {  	v12 =	vld [tilespmem:s20+$0x6800];
	[tilespmem:s18+$0x2810] =	vst v11;
	v4 =	vadd.f32 v4, v9  }
0x38: {  	v11 =	vld [tilespmem:s20+$0x6810];
	[tilespmem:s18+$0x2820] =	vst v5;
	v3 =	vadd.f32 v3, v8  }
0x39: {  	v5 =	vld [tilespmem:s20+$0x6820];
	[tilespmem:s18+$0x2830] =	vst v4;
	v2 =	vadd.f32 v2, v6  }
0x3a: {  	v4 =	vld [tilespmem:s20+$0x6830];
	[tilespmem:s18+$0x2840] =	vst v3;
	v1 =	vadd.f32 v1, v7  }
0x3b: {  	v3 =	vld [tilespmem:s20+$0x6840];
	[tilespmem:s18+$0x2850] =	vst v2;
	v0 =	vadd.f32 v0, v10  }
0x3c: {  	v2 =	vld [tilespmem:s20+$0x6850];
	[tilespmem:s18+$0x2860] =	vst v1  }
0x3d: {  	v1 =	vld [tilespmem:s20+$0x6860];
	[tilespmem:s18+$0x2870] =	vst v0;
	s18 =	smov.u32 s20  }
0x3e: {  	v0 =	vld [tilespmem:s18+$0x6870]  }
0x3f: {  	v6 =	vld [tilespmem:s18+$0x2800]  }
0x40: {  	v7 =	vld [tilespmem:s18+$0x2810]  }
.Ltmp5:
0x41: {  	v10 =	vld [tilespmem:s18+$0x2820];
	(pc) =	sbr.rel @p0 .LBB2_4-.Ltmp5, $4  }
0x42: {  	v9 =	vld [tilespmem:s18+$0x2830]  }
0x43: {  	v8 =	vld [tilespmem:s18+$0x2840]  }
0x44: {  	v12 =	vadd.f32 v12, v6;
	v6 =	vld [tilespmem:s18+$0x2850]  }
0x45: {  	s19 =	sadd.s32 $0x200, s19;
	v11 =	vadd.f32 v11, v7;
	v7 =	vld [tilespmem:s18+$0x2860]  }
0x46: {  	[tilespmem:s18+$0x2800] =	vst v12;
	v5 =	vadd.f32 v5, v10;
	v63 =	vld [tilespmem:s18+$0x2870]  }
0x47: {  	[tilespmem:s18+$0x2810] =	vst v11;
	v4 =	vadd.f32 v4, v9  }
0x48: {  	[tilespmem:s18+$0x2820] =	vst v5;
	v3 =	vadd.f32 v3, v8  }
0x49: {  	[tilespmem:s18+$0x2830] =	vst v4;
	v2 =	vadd.f32 v2, v6  }
0x4a: {  	[tilespmem:s18+$0x2840] =	vst v3;
	v1 =	vadd.f32 v1, v7  }
0x4b: {  	[tilespmem:s18+$0x2850] =	vst v2;
	v0 =	vadd.f32 v0, v63  }
0x4c: {  	[tilespmem:s18+$0x2860] =	vst v1  }
.Ltmp6:
0x4d: {  	s17 =	sadd.s32 s1, s17;
	[tilespmem:s18+$0x2870] =	vst v0;
	(pc) =	sbr.rel .LBB2_6-.Ltmp6, $4  }
0x4e: {  	[hbm4b:s17+s3] =	stream.linear.scatter [tilespmem:s13], [sflag:$0x2], $0x4000, $0x38;
	[tilespmem:$0xA800] =	vst v63  }
0x4f: {  	_ =	swait.ge [sflag:s9], $0x4000  }
0x50: {  	[sflag:s9] =	ssyncset.done $0x0  }
0x51: {  	[sflag:s9] =	ssyncadd.s32 $0xFFFFC000  }
.LBB2_8:
0x52: {  	_ =	sfence.sel $0x180000  }
0x53: {  	[bflag:$0x0] =	sbarrier.arrive $0xFFFF  }
0x54: {  	p0 =	sne.s32 s2, $0x0;
	_ =	strace $0x9000004A  }
0x55: {  	s0 =	sadd.s32 @!p0 $0x100000, s0;
	[bflag:$0x2] =	sbarrier.arrive $0xFFFF  }
0x56: {  	[sflag:s0] =	ssyncadd.tile.s32 @!p0 $0x1;
	_ =	shalt  }
.Lfunc_end2:
_tile_overlayer_lowered:
.L_overlay_start_2:
0x57: {  	(tag) =	ssettag $0x2  }
0x58: {  	s0 =	rddreg [dreg:$0x0];
	s2 =	stileid.u32  }
0x59: {  	s1 =	rddreg [dreg:$0x1];
	p0 =	sne.s32 s2, $0x0  }
0x5a: {  	s3 =	rddreg [dreg:$0x2];
	[bflag:$0x3] =	sbarrier.arrive $0xFFFF;
	s2 =	simm.s32 @!p0 $0x1C02  }
0x5b: {  	[timem:s3], [sflag:s2] =	dma.local @!p0 [hbm:s0], s1  }
0x5c: {  	s0 =	simm.s32 @!p0 $0x2  }
0x5d: {  	_ =	swait.ge @!p0 [sflag:s0], s1  }
0x5e: {  	s1 =	ssub.s32 @!p0 $0x0, s1;
	[sflag:s0] =	ssyncset.done @!p0 $0x0  }
0x5f: {  	[sflag:s0] =	ssyncadd.s32 @!p0 s1  }
0x60: {  	[bflag:$0x3] =	sbarrier.arrive $0xFFFF  }
0x61: {  	_ =	shalt  }

</sc_bundles>
